<compile_context>
chip_gen: v7x
topology: tpu7x:2x2x1
jax: 0.10.2.dev20260603
libtpu: 0.0.44.dev20260713+nightly
codegen_flags: <defaults>
</compile_context>

<pallas_src>
import jax
import jax.numpy as jnp
from jax import lax
from jax.experimental import pallas as pl
from jax.experimental.pallas import tpu as pltpu
from jax.experimental.pallas import tpu_sc as plsc

_K = 1024
_D = 32
_N = 65536
_B = 4
_R = _B * 1024
_GRID = _N // _R
_CC = 6.0
_EPS = 1e-05

_NW = 32
_RPW = _N // _NW


def _tc_body(x_ref, e_ref, q_ref, idx_ref, idxsc_ref, loss_ref, ssd_ref):
    i = pl.program_id(0)

    @pl.when(i == 0)
    def _init():
        ssd_ref[0] = 0.0

    x = x_ref[...].reshape(_R, _D)
    e = e_ref[...]
    score = jnp.dot(x, e, preferred_element_type=jnp.float32)
    x2 = jnp.sum(x * x, axis=1, keepdims=True)
    e2 = jnp.sum(e * e, axis=0, keepdims=True)
    dist = (x2 + e2) - 2.0 * score
    idx = jnp.argmin(dist, axis=1).astype(jnp.int32)
    idx_ref[...] = idx.reshape(_B, 32, 32)
    idxsc_ref[...] = idx.reshape(_R // _RPW, 16, 128)
    one_hot = (lax.broadcasted_iota(jnp.int32, (_R, _K), 1)
               == idx[:, None]).astype(jnp.float32)
    q = lax.dot_general(one_hot, e, (((1,), (1,)), ((), ())),
                        preferred_element_type=jnp.float32)
    q_ref[...] = q.reshape(_B, 32, 32, _D)
    d = q - x
    ssd_ref[0] += jnp.sum(d * d)

    @pl.when(i == _GRID - 1)
    def _fin():
        loss_ref[...] = jnp.full((1, 1), (_CC / (_N * _D)) * ssd_ref[0],
                                 jnp.float32)


def _sc_body(idxsc_hbm, cnt_hbm, idx_v, cnt_v):
    cid = lax.axis_index("c")
    sid = lax.axis_index("s")
    w = sid * 2 + cid
    pltpu.sync_copy(idxsc_hbm.at[w], idx_v)
    for r in range(8):
        for c in range(8):
            cnt_v[r, pl.ds(c * 16, 16)] = jnp.zeros((16,), jnp.float32)
    ones = jnp.ones((16,), jnp.float32)
    for j in range(16):
        for g in range(8):
            iv = idx_v[j, pl.ds(g * 16, 16)]
            plsc.addupdate_scatter(
                cnt_v, [lax.shift_right_logical(iv, 7),
                        jnp.bitwise_and(iv, 127)], ones)
    pltpu.sync_copy(cnt_v, cnt_hbm.at[w])


def _perp_body(cnt_ref, perp_ref):
    c = jnp.sum(cnt_ref[...], axis=0)
    p = c * (1.0 / _N)
    ent = jnp.sum(p * jnp.log(p + _EPS), axis=(0, 1), keepdims=True)
    perp_ref[...] = jnp.exp(-ent)


def kernel(inputs, embeddings):
    q, idx, idx_sc, loss = pl.pallas_call(
        _tc_body,
        grid=(_GRID,),
        in_specs=[
            pl.BlockSpec((_B, 32, 32, _D), lambda i: (i, 0, 0, 0)),
            pl.BlockSpec((_D, _K), lambda i: (0, 0)),
        ],
        out_specs=[
            pl.BlockSpec((_B, 32, 32, _D), lambda i: (i, 0, 0, 0)),
            pl.BlockSpec((_B, 32, 32), lambda i: (i, 0, 0)),
            pl.BlockSpec((_R // _RPW, 16, 128), lambda i: (i, 0, 0)),
            pl.BlockSpec((1, 1), lambda i: (0, 0)),
        ],
        out_shape=[
            jax.ShapeDtypeStruct((64, 32, 32, _D), jnp.float32),
            jax.ShapeDtypeStruct((64, 32, 32), jnp.int32),
            jax.ShapeDtypeStruct((_NW, 16, 128), jnp.int32),
            jax.ShapeDtypeStruct((1, 1), jnp.float32),
        ],
        scratch_shapes=[
            pltpu.SMEM((1,), jnp.float32),
        ],
    )(inputs, embeddings)

    mesh = plsc.VectorSubcoreMesh(core_axis_name="c", subcore_axis_name="s")
    cnt_parts = pl.kernel(
        _sc_body,
        mesh=mesh,
        compiler_params=pltpu.CompilerParams(use_tc_tiling_on_sc=False,
                                             needs_layout_passes=False),
        out_type=jax.ShapeDtypeStruct((_NW, 8, 128), jnp.float32),
        scratch_types=[
            pltpu.VMEM((16, 128), jnp.int32),
            pltpu.VMEM((8, 128), jnp.float32),
        ],
    )(idx_sc)

    perp = pl.pallas_call(
        _perp_body,
        out_shape=jax.ShapeDtypeStruct((1, 1), jnp.float32),
    )(cnt_parts)

    return (loss.reshape(()), q, idx, perp.reshape(()))

# --- scband reference (transcript-rebuilt; emitter-appended) ---
"""Pipeline reference for scband-vector-quantizer-ema-39556648796239 (READ-ONLY COPY).

The authoritative reference and input builder live on the scoring server;
editing this copy changes nothing except your own understanding.
"""

import jax, jax.numpy as jnp
import numpy as np

NUM_EMBEDDINGS = 1024
EMBEDDING_DIM = 32
COMMITMENT_COST = 6.0
EPSILON = 1e-05


def setup_inputs(seed: int = 0) -> dict:
    key = jax.random.key(seed)
    k1, k2 = jax.random.split(key)
    inputs = jax.random.normal(k1, (64, 32, 32, EMBEDDING_DIM), dtype=jnp.float32)
    # Keras 'uniform' initializer default: U(-0.05, 0.05); shape (embedding_dim, num_embeddings)
    embeddings = jax.random.uniform(k2, (EMBEDDING_DIM, NUM_EMBEDDINGS), dtype=jnp.float32, minval=-0.05, maxval=0.05)
    return {"inputs": inputs, "embeddings": embeddings}


def reference(inputs, embeddings):
    # Faithful translation of VectorQuantizerEMA.call (inference math path).
    # Note: the EMA state updates (ema_cluster_size/ema_w/embeddings assigns) are
    # side-effecting state mutations that do NOT affect the returned values in the
    # original code (quantized is computed before the assigns), so they are omitted
    # from this pure functional forward.
    inputs_flat = inputs.reshape(-1, EMBEDDING_DIM)
    distances = (
        jnp.sum(inputs_flat ** 2, axis=1, keepdims=True)
        + jnp.sum(embeddings ** 2, axis=0)
        - 2.0 * jnp.matmul(inputs_flat, embeddings)
    )
    encoding_indices = jnp.argmin(distances, axis=1)
    encodings = jax.nn.one_hot(encoding_indices, NUM_EMBEDDINGS, dtype=inputs.dtype)
    encoding_indices_out = encoding_indices.reshape(inputs.shape[:-1])
    quantized = jnp.matmul(encodings, embeddings.T).reshape(inputs.shape)
    e_latent_loss = jnp.mean((jax.lax.stop_gradient(quantized) - inputs) ** 2)
    loss = COMMITMENT_COST * e_latent_loss
    avg_probs = jnp.mean(encodings, axis=0)
    perplexity = jnp.exp(-jnp.sum(avg_probs * jnp.log(avg_probs + EPSILON)))
    quantized_st = inputs + jax.lax.stop_gradient(quantized - inputs)
    return (loss, quantized_st, encoding_indices_out, perplexity)

if __name__ == "__main__":
    import jax
    _d = setup_inputs()
    print(jax.jit(kernel)(*tuple(_d.values())))

</pallas_src>

<mosaic_0001>
#map = affine_map<(d0, d1) -> (0, 0, 0)>
module attributes {stable_mosaic.version = 14 : i64} {
  func.func @_sc_body(%arg0: i32, %arg1: i32, %arg2: memref<32x16x128xi32, #tpu.memory_space<hbm>>, %arg3: memref<32x8x128xf32, #tpu.memory_space<hbm>>, %arg4: memref<16x128xi32, #tpu.memory_space<vmem>>, %arg5: memref<8x128xf32, #tpu.memory_space<vmem>>) attributes {dimension_semantics = [#tpu.dimension_semantics<core_parallel>, #tpu.dimension_semantics<subcore_parallel>], iteration_bounds = array<i64: 2, 16>, scalar_prefetch = 0 : i64, scratch_operands = 2 : i64, tpu.core_type = #tpu.core_type<sc_vector_subcore>, window_params = [{transform_indices = #map}, {transform_indices = #map}]} {
    %mul3A = arith.constant 2 : i32
    %mul3A_0 = arith.muli %arg1, %mul3A : i32
    %add3A = arith.addi %mul3A_0, %arg0 : i32
    "tpu.region"() ({
      %run_scoped3A = tpu.sem_alloc : memref<!tpu.dma_semaphore, #tpu.memory_space<semaphore_mem>>
      %dma_start3A = arith.constant 0 : i32
      %dma_start3A_1662 = arith.constant 0 : i32
      %dma_start3A_1663 = tpu.memref_slice %arg2[%add3A, %dma_start3A, %dma_start3A_1662] : memref<32x16x128xi32, #tpu.memory_space<hbm>> -> memref<1x16x128xi32, #tpu.memory_space<hbm>>
      %dma_start3A_1664 = tpu.memref_squeeze %dma_start3A_1663 : memref<1x16x128xi32, #tpu.memory_space<hbm>> -> memref<16x128xi32, #tpu.memory_space<hbm>>
      %dma_start3A_1665 = arith.constant 0 : i32
      %dma_start3A_1666 = arith.constant 0 : i32
      %dma_start3A_1667 = tpu.memref_slice %arg2[%add3A, %dma_start3A_1665, %dma_start3A_1666] : memref<32x16x128xi32, #tpu.memory_space<hbm>> -> memref<1x16x128xi32, #tpu.memory_space<hbm>>
      %dma_start3A_1668 = tpu.memref_squeeze %dma_start3A_1667 : memref<1x16x128xi32, #tpu.memory_space<hbm>> -> memref<16x128xi32, #tpu.memory_space<hbm>>
      tpu.enqueue_dma source(%dma_start3A_1668 : memref<16x128xi32, #tpu.memory_space<hbm>>) target(%arg4 : memref<16x128xi32, #tpu.memory_space<vmem>>) target_semaphore(%run_scoped3A : memref<!tpu.dma_semaphore, #tpu.memory_space<semaphore_mem>>)
      %dma_wait3A = arith.constant 0 : i32
      %dma_wait3A_1669 = arith.constant 0 : i32
      %dma_wait3A_1670 = tpu.memref_slice %arg2[%add3A, %dma_wait3A, %dma_wait3A_1669] : memref<32x16x128xi32, #tpu.memory_space<hbm>> -> memref<1x16x128xi32, #tpu.memory_space<hbm>>
      %dma_wait3A_1671 = tpu.memref_squeeze %dma_wait3A_1670 : memref<1x16x128xi32, #tpu.memory_space<hbm>> -> memref<16x128xi32, #tpu.memory_space<hbm>>
      %dma_wait3A_1672 = arith.constant 0 : i32
      %dma_wait3A_1673 = arith.constant 0 : i32
      %dma_wait3A_1674 = tpu.memref_slice %arg2[%add3A, %dma_wait3A_1672, %dma_wait3A_1673] : memref<32x16x128xi32, #tpu.memory_space<hbm>> -> memref<1x16x128xi32, #tpu.memory_space<hbm>>
      %dma_wait3A_1675 = tpu.memref_squeeze %dma_wait3A_1674 : memref<1x16x128xi32, #tpu.memory_space<hbm>> -> memref<16x128xi32, #tpu.memory_space<hbm>>
      tpu.wait_dma2 semaphore(%run_scoped3A : memref<!tpu.dma_semaphore, #tpu.memory_space<semaphore_mem>>) src(%dma_wait3A_1675 : memref<16x128xi32, #tpu.memory_space<hbm>>) dst(%arg4 : memref<16x128xi32, #tpu.memory_space<vmem>>)
      tpu.yield
    }) : () -> ()
    %broadcast_in_dim3A = arith.constant 0.000000e+00 : f32
    %broadcast_in_dim3A_1 = vector.broadcast %broadcast_in_dim3A : f32 to vector<16xf32>
    %swap3A = arith.constant 0 : i32
    %swap3A_2 = arith.index_cast %swap3A : i32 to index
    %swap3A_3 = arith.constant 0 : index
    %swap3A_4 = tpu.vector_load %arg5[%swap3A_2, %swap3A_3] {strides = array<i32>} : memref<8x128xf32, #tpu.memory_space<vmem>>, vector<16xf32>,
    tpu.vector_store %arg5[%swap3A_2, %swap3A_3], %broadcast_in_dim3A_1 {strides = array<i32>} : memref<8x128xf32, #tpu.memory_space<vmem>>, vector<16xf32>,
    %broadcast_in_dim3A_5 = arith.constant 0.000000e+00 : f32
    %broadcast_in_dim3A_6 = vector.broadcast %broadcast_in_dim3A_5 : f32 to vector<16xf32>
    %swap3A_7 = arith.constant 0 : i32
    %swap3A_8 = arith.index_cast %swap3A_7 : i32 to index
    %swap3A_9 = arith.constant 16 : index
    %swap3A_10 = tpu.vector_load %arg5[%swap3A_8, %swap3A_9] {strides = array<i32>} : memref<8x128xf32, #tpu.memory_space<vmem>>, vector<16xf32>,
    tpu.vector_store %arg5[%swap3A_8, %swap3A_9], %broadcast_in_dim3A_6 {strides = array<i32>} : memref<8x128xf32, #tpu.memory_space<vmem>>, vector<16xf32>,
    %broadcast_in_dim3A_11 = arith.constant 0.000000e+00 : f32
    %broadcast_in_dim3A_12 = vector.broadcast %broadcast_in_dim3A_11 : f32 to vector<16xf32>
    %swap3A_13 = arith.constant 0 : i32
    %swap3A_14 = arith.index_cast %swap3A_13 : i32 to index
    %swap3A_15 = arith.constant 32 : index
    %swap3A_16 = tpu.vector_load %arg5[%swap3A_14, %swap3A_15] {strides = array<i32>} : memref<8x128xf32, #tpu.memory_space<vmem>>, vector<16xf32>,
    tpu.vector_store %arg5[%swap3A_14, %swap3A_15], %broadcast_in_dim3A_12 {strides = array<i32>} : memref<8x128xf32, #tpu.memory_space<vmem>>, vector<16xf32>,
    %broadcast_in_dim3A_17 = arith.constant 0.000000e+00 : f32
    %broadcast_in_dim3A_18 = vector.broadcast %broadcast_in_dim3A_17 : f32 to vector<16xf32>
    %swap3A_19 = arith.constant 0 : i32
    %swap3A_20 = arith.index_cast %swap3A_19 : i32 to index
    %swap3A_21 = arith.constant 48 : index
    %swap3A_22 = tpu.vector_load %arg5[%swap3A_20, %swap3A_21] {strides = array<i32>} : memref<8x128xf32, #tpu.memory_space<vmem>>, vector<16xf32>,
    tpu.vector_store %arg5[%swap3A_20, %swap3A_21], %broadcast_in_dim3A_18 {strides = array<i32>} : memref<8x128xf32, #tpu.memory_space<vmem>>, vector<16xf32>,
    %broadcast_in_dim3A_23 = arith.constant 0.000000e+00 : f32
    %broadcast_in_dim3A_24 = vector.broadcast %broadcast_in_dim3A_23 : f32 to vector<16xf32>
    %swap3A_25 = arith.constant 0 : i32
    %swap3A_26 = arith.index_cast %swap3A_25 : i32 to index
    %swap3A_27 = arith.constant 64 : index
    %swap3A_28 = tpu.vector_load %arg5[%swap3A_26, %swap3A_27] {strides = array<i32>} : memref<8x128xf32, #tpu.memory_space<vmem>>, vector<16xf32>,
    tpu.vector_store %arg5[%swap3A_26, %swap3A_27], %broadcast_in_dim3A_24 {strides = array<i32>} : memref<8x128xf32, #tpu.memory_space<vmem>>, vector<16xf32>,
    %broadcast_in_dim3A_29 = arith.constant 0.000000e+00 : f32
    %broadcast_in_dim3A_30 = vector.broadcast %broadcast_in_dim3A_29 : f32 to vector<16xf32>
    %swap3A_31 = arith.constant 0 : i32
    %swap3A_32 = arith.index_cast %swap3A_31 : i32 to index
    %swap3A_33 = arith.constant 80 : index
    %swap3A_34 = tpu.vector_load %arg5[%swap3A_32, %swap3A_33] {strides = array<i32>} : memref<8x128xf32, #tpu.memory_space<vmem>>, vector<16xf32>,
    tpu.vector_store %arg5[%swap3A_32, %swap3A_33], %broadcast_in_dim3A_30 {strides = array<i32>} : memref<8x128xf32, #tpu.memory_space<vmem>>, vector<16xf32>,
    %broadcast_in_dim3A_35 = arith.constant 0.000000e+00 : f32
    %broadcast_in_dim3A_36 = vector.broadcast %broadcast_in_dim3A_35 : f32 to vector<16xf32>
    %swap3A_37 = arith.constant 0 : i32
    %swap3A_38 = arith.index_cast %swap3A_37 : i32 to index
    %swap3A_39 = arith.constant 96 : index
    %swap3A_40 = tpu.vector_load %arg5[%swap3A_38, %swap3A_39] {strides = array<i32>} : memref<8x128xf32, #tpu.memory_space<vmem>>, vector<16xf32>,
    tpu.vector_store %arg5[%swap3A_38, %swap3A_39], %broadcast_in_dim3A_36 {strides = array<i32>} : memref<8x128xf32, #tpu.memory_space<vmem>>, vector<16xf32>,
    %broadcast_in_dim3A_41 = arith.constant 0.000000e+00 : f32
    %broadcast_in_dim3A_42 = vector.broadcast %broadcast_in_dim3A_41 : f32 to vector<16xf32>
    %swap3A_43 = arith.constant 0 : i32
    %swap3A_44 = arith.index_cast %swap3A_43 : i32 to index
    %swap3A_45 = arith.constant 112 : index
    %swap3A_46 = tpu.vector_load %arg5[%swap3A_44, %swap3A_45] {strides = array<i32>} : memref<8x128xf32, #tpu.memory_space<vmem>>, vector<16xf32>,
    tpu.vector_store %arg5[%swap3A_44, %swap3A_45], %broadcast_in_dim3A_42 {strides = array<i32>} : memref<8x128xf32, #tpu.memory_space<vmem>>, vector<16xf32>,
    %broadcast_in_dim3A_47 = arith.constant 0.000000e+00 : f32
    %broadcast_in_dim3A_48 = vector.broadcast %broadcast_in_dim3A_47 : f32 to vector<16xf32>
    %swap3A_49 = arith.constant 1 : i32
    %swap3A_50 = arith.index_cast %swap3A_49 : i32 to index
    %swap3A_51 = arith.constant 0 : index
    %swap3A_52 = tpu.vector_load %arg5[%swap3A_50, %swap3A_51] {strides = array<i32>} : memref<8x128xf32, #tpu.memory_space<vmem>>, vector<16xf32>,
    tpu.vector_store %arg5[%swap3A_50, %swap3A_51], %broadcast_in_dim3A_48 {strides = array<i32>} : memref<8x128xf32, #tpu.memory_space<vmem>>, vector<16xf32>,
    %broadcast_in_dim3A_53 = arith.constant 0.000000e+00 : f32
    %broadcast_in_dim3A_54 = vector.broadcast %broadcast_in_dim3A_53 : f32 to vector<16xf32>
    %swap3A_55 = arith.constant 1 : i32
    %swap3A_56 = arith.index_cast %swap3A_55 : i32 to index
    %swap3A_57 = arith.constant 16 : index
    %swap3A_58 = tpu.vector_load %arg5[%swap3A_56, %swap3A_57] {strides = array<i32>} : memref<8x128xf32, #tpu.memory_space<vmem>>, vector<16xf32>,
    tpu.vector_store %arg5[%swap3A_56, %swap3A_57], %broadcast_in_dim3A_54 {strides = array<i32>} : memref<8x128xf32, #tpu.memory_space<vmem>>, vector<16xf32>,
    %broadcast_in_dim3A_59 = arith.constant 0.000000e+00 : f32
    %broadcast_in_dim3A_60 = vector.broadcast %broadcast_in_dim3A_59 : f32 to vector<16xf32>
    %swap3A_61 = arith.constant 1 : i32
    %swap3A_62 = arith.index_cast %swap3A_61 : i32 to index
    %swap3A_63 = arith.constant 32 : index
    %swap3A_64 = tpu.vector_load %arg5[%swap3A_62, %swap3A_63] {strides = array<i32>} : memref<8x128xf32, #tpu.memory_space<vmem>>, vector<16xf32>,
    tpu.vector_store %arg5[%swap3A_62, %swap3A_63], %broadcast_in_dim3A_60 {strides = array<i32>} : memref<8x128xf32, #tpu.memory_space<vmem>>, vector<16xf32>,
    %broadcast_in_dim3A_65 = arith.constant 0.000000e+00 : f32
    %broadcast_in_dim3A_66 = vector.broadcast %broadcast_in_dim3A_65 : f32 to vector<16xf32>
    %swap3A_67 = arith.constant 1 : i32
    %swap3A_68 = arith.index_cast %swap3A_67 : i32 to index
    %swap3A_69 = arith.constant 48 : index
    %swap3A_70 = tpu.vector_load %arg5[%swap3A_68, %swap3A_69] {strides = array<i32>} : memref<8x128xf32, #tpu.memory_space<vmem>>, vector<16xf32>,
    tpu.vector_store %arg5[%swap3A_68, %swap3A_69], %broadcast_in_dim3A_66 {strides = array<i32>} : memref<8x128xf32, #tpu.memory_space<vmem>>, vector<16xf32>,
    %broadcast_in_dim3A_71 = arith.constant 0.000000e+00 : f32
    %broadcast_in_dim3A_72 = vector.broadcast %broadcast_in_dim3A_71 : f32 to vector<16xf32>
    %swap3A_73 = arith.constant 1 : i32
    %swap3A_74 = arith.index_cast %swap3A_73 : i32 to index
    %swap3A_75 = arith.constant 64 : index
    %swap3A_76 = tpu.vector_load %arg5[%swap3A_74, %swap3A_75] {strides = array<i32>} : memref<8x128xf32, #tpu.memory_space<vmem>>, vector<16xf32>,
    tpu.vector_store %arg5[%swap3A_74, %swap3A_75], %broadcast_in_dim3A_72 {strides = array<i32>} : memref<8x128xf32, #tpu.memory_space<vmem>>, vector<16xf32>,
    %broadcast_in_dim3A_77 = arith.constant 0.000000e+00 : f32
    %broadcast_in_dim3A_78 = vector.broadcast %broadcast_in_dim3A_77 : f32 to vector<16xf32>
    %swap3A_79 = arith.constant 1 : i32
    %swap3A_80 = arith.index_cast %swap3A_79 : i32 to index
    %swap3A_81 = arith.constant 80 : index
    %swap3A_82 = tpu.vector_load %arg5[%swap3A_80, %swap3A_81] {strides = array<i32>} : memref<8x128xf32, #tpu.memory_space<vmem>>, vector<16xf32>,
    tpu.vector_store %arg5[%swap3A_80, %swap3A_81], %broadcast_in_dim3A_78 {strides = array<i32>} : memref<8x128xf32, #tpu.memory_space<vmem>>, vector<16xf32>,
    %broadcast_in_dim3A_83 = arith.constant 0.000000e+00 : f32
    %broadcast_in_dim3A_84 = vector.broadcast %broadcast_in_dim3A_83 : f32 to vector<16xf32>
    %swap3A_85 = arith.constant 1 : i32
    %swap3A_86 = arith.index_cast %swap3A_85 : i32 to index
    %swap3A_87 = arith.constant 96 : index
    %swap3A_88 = tpu.vector_load %arg5[%swap3A_86, %swap3A_87] {strides = array<i32>} : memref<8x128xf32, #tpu.memory_space<vmem>>, vector<16xf32>,
    tpu.vector_store %arg5[%swap3A_86, %swap3A_87], %broadcast_in_dim3A_84 {strides = array<i32>} : memref<8x128xf32, #tpu.memory_space<vmem>>, vector<16xf32>,
    %broadcast_in_dim3A_89 = arith.constant 0.000000e+00 : f32
    %broadcast_in_dim3A_90 = vector.broadcast %broadcast_in_dim3A_89 : f32 to vector<16xf32>
    %swap3A_91 = arith.constant 1 : i32
    %swap3A_92 = arith.index_cast %swap3A_91 : i32 to index
    %swap3A_93 = arith.constant 112 : index
    %swap3A_94 = tpu.vector_load %arg5[%swap3A_92, %swap3A_93] {strides = array<i32>} : memref<8x128xf32, #tpu.memory_space<vmem>>, vector<16xf32>,
    tpu.vector_store %arg5[%swap3A_92, %swap3A_93], %broadcast_in_dim3A_90 {strides = array<i32>} : memref<8x128xf32, #tpu.memory_space<vmem>>, vector<16xf32>,
    %broadcast_in_dim3A_95 = arith.constant 0.000000e+00 : f32
    %broadcast_in_dim3A_96 = vector.broadcast %broadcast_in_dim3A_95 : f32 to vector<16xf32>
    %swap3A_97 = arith.constant 2 : i32
    %swap3A_98 = arith.index_cast %swap3A_97 : i32 to index
    %swap3A_99 = arith.constant 0 : index
    %swap3A_100 = tpu.vector_load %arg5[%swap3A_98, %swap3A_99] {strides = array<i32>} : memref<8x128xf32, #tpu.memory_space<vmem>>, vector<16xf32>,
    tpu.vector_store %arg5[%swap3A_98, %swap3A_99], %broadcast_in_dim3A_96 {strides = array<i32>} : memref<8x128xf32, #tpu.memory_space<vmem>>, vector<16xf32>,
    %broadcast_in_dim3A_101 = arith.constant 0.000000e+00 : f32
    %broadcast_in_dim3A_102 = vector.broadcast %broadcast_in_dim3A_101 : f32 to vector<16xf32>
    %swap3A_103 = arith.constant 2 : i32
    %swap3A_104 = arith.index_cast %swap3A_103 : i32 to index
    %swap3A_105 = arith.constant 16 : index
    %swap3A_106 = tpu.vector_load %arg5[%swap3A_104, %swap3A_105] {strides = array<i32>} : memref<8x128xf32, #tpu.memory_space<vmem>>, vector<16xf32>,
    tpu.vector_store %arg5[%swap3A_104, %swap3A_105], %broadcast_in_dim3A_102 {strides = array<i32>} : memref<8x128xf32, #tpu.memory_space<vmem>>, vector<16xf32>,
    %broadcast_in_dim3A_107 = arith.constant 0.000000e+00 : f32
    %broadcast_in_dim3A_108 = vector.broadcast %broadcast_in_dim3A_107 : f32 to vector<16xf32>
    %swap3A_109 = arith.constant 2 : i32
    %swap3A_110 = arith.index_cast %swap3A_109 : i32 to index
    %swap3A_111 = arith.constant 32 : index
    %swap3A_112 = tpu.vector_load %arg5[%swap3A_110, %swap3A_111] {strides = array<i32>} : memref<8x128xf32, #tpu.memory_space<vmem>>, vector<16xf32>,
    tpu.vector_store %arg5[%swap3A_110, %swap3A_111], %broadcast_in_dim3A_108 {strides = array<i32>} : memref<8x128xf32, #tpu.memory_space<vmem>>, vector<16xf32>,
    %broadcast_in_dim3A_113 = arith.constant 0.000000e+00 : f32
    %broadcast_in_dim3A_114 = vector.broadcast %broadcast_in_dim3A_113 : f32 to vector<16xf32>
    %swap3A_115 = arith.constant 2 : i32
    %swap3A_116 = arith.index_cast %swap3A_115 : i32 to index
    %swap3A_117 = arith.constant 48 : index
    %swap3A_118 = tpu.vector_load %arg5[%swap3A_116, %swap3A_117] {strides = array<i32>} : memref<8x128xf32, #tpu.memory_space<vmem>>, vector<16xf32>,
    tpu.vector_store %arg5[%swap3A_116, %swap3A_117], %broadcast_in_dim3A_114 {strides = array<i32>} : memref<8x128xf32, #tpu.memory_space<vmem>>, vector<16xf32>,
    %broadcast_in_dim3A_119 = arith.constant 0.000000e+00 : f32
    %broadcast_in_dim3A_120 = vector.broadcast %broadcast_in_dim3A_119 : f32 to vector<16xf32>
    %swap3A_121 = arith.constant 2 : i32
    %swap3A_122 = arith.index_cast %swap3A_121 : i32 to index
    %swap3A_123 = arith.constant 64 : index
    %swap3A_124 = tpu.vector_load %arg5[%swap3A_122, %swap3A_123] {strides = array<i32>} : memref<8x128xf32, #tpu.memory_space<vmem>>, vector<16xf32>,
    tpu.vector_store %arg5[%swap3A_122, %swap3A_123], %broadcast_in_dim3A_120 {strides = array<i32>} : memref<8x128xf32, #tpu.memory_space<vmem>>, vector<16xf32>,
    %broadcast_in_dim3A_125 = arith.constant 0.000000e+00 : f32
    %broadcast_in_dim3A_126 = vector.broadcast %broadcast_in_dim3A_125 : f32 to vector<16xf32>
    %swap3A_127 = arith.constant 2 : i32
    %swap3A_128 = arith.index_cast %swap3A_127 : i32 to index
    %swap3A_129 = arith.constant 80 : index
    %swap3A_130 = tpu.vector_load %arg5[%swap3A_128, %swap3A_129] {strides = array<i32>} : memref<8x128xf32, #tpu.memory_space<vmem>>, vector<16xf32>,
    tpu.vector_store %arg5[%swap3A_128, %swap3A_129], %broadcast_in_dim3A_126 {strides = array<i32>} : memref<8x128xf32, #tpu.memory_space<vmem>>, vector<16xf32>,
    %broadcast_in_dim3A_131 = arith.constant 0.000000e+00 : f32
    %broadcast_in_dim3A_132 = vector.broadcast %broadcast_in_dim3A_131 : f32 to vector<16xf32>
    %swap3A_133 = arith.constant 2 : i32
    %swap3A_134 = arith.index_cast %swap3A_133 : i32 to index
    %swap3A_135 = arith.constant 96 : index
    %swap3A_136 = tpu.vector_load %arg5[%swap3A_134, %swap3A_135] {strides = array<i32>} : memref<8x128xf32, #tpu.memory_space<vmem>>, vector<16xf32>,
    tpu.vector_store %arg5[%swap3A_134, %swap3A_135], %broadcast_in_dim3A_132 {strides = array<i32>} : memref<8x128xf32, #tpu.memory_space<vmem>>, vector<16xf32>,
    %broadcast_in_dim3A_137 = arith.constant 0.000000e+00 : f32
    %broadcast_in_dim3A_138 = vector.broadcast %broadcast_in_dim3A_137 : f32 to vector<16xf32>
    %swap3A_139 = arith.constant 2 : i32
    %swap3A_140 = arith.index_cast %swap3A_139 : i32 to index
    %swap3A_141 = arith.constant 112 : index
    %swap3A_142 = tpu.vector_load %arg5[%swap3A_140, %swap3A_141] {strides = array<i32>} : memref<8x128xf32, #tpu.memory_space<vmem>>, vector<16xf32>,
    tpu.vector_store %arg5[%swap3A_140, %swap3A_141], %broadcast_in_dim3A_138 {strides = array<i32>} : memref<8x128xf32, #tpu.memory_space<vmem>>, vector<16xf32>,
    %broadcast_in_dim3A_143 = arith.constant 0.000000e+00 : f32
    %broadcast_in_dim3A_144 = vector.broadcast %broadcast_in_dim3A_143 : f32 to vector<16xf32>
    %swap3A_145 = arith.constant 3 : i32
    %swap3A_146 = arith.index_cast %swap3A_145 : i32 to index
    %swap3A_147 = arith.constant 0 : index
    %swap3A_148 = tpu.vector_load %arg5[%swap3A_146, %swap3A_147] {strides = array<i32>} : memref<8x128xf32, #tpu.memory_space<vmem>>, vector<16xf32>,
    tpu.vector_store %arg5[%swap3A_146, %swap3A_147], %broadcast_in_dim3A_144 {strides = array<i32>} : memref<8x128xf32, #tpu.memory_space<vmem>>, vector<16xf32>,
    %broadcast_in_dim3A_149 = arith.constant 0.000000e+00 : f32
    %broadcast_in_dim3A_150 = vector.broadcast %broadcast_in_dim3A_149 : f32 to vector<16xf32>
    %swap3A_151 = arith.constant 3 : i32
    %swap3A_152 = arith.index_cast %swap3A_151 : i32 to index
    %swap3A_153 = arith.constant 16 : index
    %swap3A_154 = tpu.vector_load %arg5[%swap3A_152, %swap3A_153] {strides = array<i32>} : memref<8x128xf32, #tpu.memory_space<vmem>>, vector<16xf32>,
    tpu.vector_store %arg5[%swap3A_152, %swap3A_153], %broadcast_in_dim3A_150 {strides = array<i32>} : memref<8x128xf32, #tpu.memory_space<vmem>>, vector<16xf32>,
    %broadcast_in_dim3A_155 = arith.constant 0.000000e+00 : f32
    %broadcast_in_dim3A_156 = vector.broadcast %broadcast_in_dim3A_155 : f32 to vector<16xf32>
    %swap3A_157 = arith.constant 3 : i32
    %swap3A_158 = arith.index_cast %swap3A_157 : i32 to index
    %swap3A_159 = arith.constant 32 : index
    %swap3A_160 = tpu.vector_load %arg5[%swap3A_158, %swap3A_159] {strides = array<i32>} : memref<8x128xf32, #tpu.memory_space<vmem>>, vector<16xf32>,
    tpu.vector_store %arg5[%swap3A_158, %swap3A_159], %broadcast_in_dim3A_156 {strides = array<i32>} : memref<8x128xf32, #tpu.memory_space<vmem>>, vector<16xf32>,
    %broadcast_in_dim3A_161 = arith.constant 0.000000e+00 : f32
    %broadcast_in_dim3A_162 = vector.broadcast %broadcast_in_dim3A_161 : f32 to vector<16xf32>
    %swap3A_163 = arith.constant 3 : i32
    %swap3A_164 = arith.index_cast %swap3A_163 : i32 to index
    %swap3A_165 = arith.constant 48 : index
    %swap3A_166 = tpu.vector_load %arg5[%swap3A_164, %swap3A_165] {strides = array<i32>} : memref<8x128xf32, #tpu.memory_space<vmem>>, vector<16xf32>,
    tpu.vector_store %arg5[%swap3A_164, %swap3A_165], %broadcast_in_dim3A_162 {strides = array<i32>} : memref<8x128xf32, #tpu.memory_space<vmem>>, vector<16xf32>,
    %broadcast_in_dim3A_167 = arith.constant 0.000000e+00 : f32
    %broadcast_in_dim3A_168 = vector.broadcast %broadcast_in_dim3A_167 : f32 to vector<16xf32>
    %swap3A_169 = arith.constant 3 : i32
    %swap3A_170 = arith.index_cast %swap3A_169 : i32 to index
    %swap3A_171 = arith.constant 64 : index
    %swap3A_172 = tpu.vector_load %arg5[%swap3A_170, %swap3A_171] {strides = array<i32>} : memref<8x128xf32, #tpu.memory_space<vmem>>, vector<16xf32>,
    tpu.vector_store %arg5[%swap3A_170, %swap3A_171], %broadcast_in_dim3A_168 {strides = array<i32>} : memref<8x128xf32, #tpu.memory_space<vmem>>, vector<16xf32>,
    %broadcast_in_dim3A_173 = arith.constant 0.000000e+00 : f32
    %broadcast_in_dim3A_174 = vector.broadcast %broadcast_in_dim3A_173 : f32 to vector<16xf32>
    %swap3A_175 = arith.constant 3 : i32
    %swap3A_176 = arith.index_cast %swap3A_175 : i32 to index
    %swap3A_177 = arith.constant 80 : index
    %swap3A_178 = tpu.vector_load %arg5[%swap3A_176, %swap3A_177] {strides = array<i32>} : memref<8x128xf32, #tpu.memory_space<vmem>>, vector<16xf32>,
    tpu.vector_store %arg5[%swap3A_176, %swap3A_177], %broadcast_in_dim3A_174 {strides = array<i32>} : memref<8x128xf32, #tpu.memory_space<vmem>>, vector<16xf32>,
    %broadcast_in_dim3A_179 = arith.constant 0.000000e+00 : f32
    %broadcast_in_dim3A_180 = vector.broadcast %broadcast_in_dim3A_179 : f32 to vector<16xf32>
    %swap3A_181 = arith.constant 3 : i32
    %swap3A_182 = arith.index_cast %swap3A_181 : i32 to index
    %swap3A_183 = arith.constant 96 : index
    %swap3A_184 = tpu.vector_load %arg5[%swap3A_182, %swap3A_183] {strides = array<i32>} : memref<8x128xf32, #tpu.memory_space<vmem>>, vector<16xf32>,
    tpu.vector_store %arg5[%swap3A_182, %swap3A_183], %broadcast_in_dim3A_180 {strides = array<i32>} : memref<8x128xf32, #tpu.memory_space<vmem>>, vector<16xf32>,
    %broadcast_in_dim3A_185 = arith.constant 0.000000e+00 : f32
    %broadcast_in_dim3A_186 = vector.broadcast %broadcast_in_dim3A_185 : f32 to vector<16xf32>
    %swap3A_187 = arith.constant 3 : i32
    %swap3A_188 = arith.index_cast %swap3A_187 : i32 to index
    %swap3A_189 = arith.constant 112 : index
    %swap3A_190 = tpu.vector_load %arg5[%swap3A_188, %swap3A_189] {strides = array<i32>} : memref<8x128xf32, #tpu.memory_space<vmem>>, vector<16xf32>,
    tpu.vector_store %arg5[%swap3A_188, %swap3A_189], %broadcast_in_dim3A_186 {strides = array<i32>} : memref<8x128xf32, #tpu.memory_space<vmem>>, vector<16xf32>,
    %broadcast_in_dim3A_191 = arith.constant 0.000000e+00 : f32
    %broadcast_in_dim3A_192 = vector.broadcast %broadcast_in_dim3A_191 : f32 to vector<16xf32>
    %swap3A_193 = arith.constant 4 : i32
    %swap3A_194 = arith.index_cast %swap3A_193 : i32 to index
    %swap3A_195 = arith.constant 0 : index
    %swap3A_196 = tpu.vector_load %arg5[%swap3A_194, %swap3A_195] {strides = array<i32>} : memref<8x128xf32, #tpu.memory_space<vmem>>, vector<16xf32>,
    tpu.vector_store %arg5[%swap3A_194, %swap3A_195], %broadcast_in_dim3A_192 {strides = array<i32>} : memref<8x128xf32, #tpu.memory_space<vmem>>, vector<16xf32>,
    %broadcast_in_dim3A_197 = arith.constant 0.000000e+00 : f32
    %broadcast_in_dim3A_198 = vector.broadcast %broadcast_in_dim3A_197 : f32 to vector<16xf32>
    %swap3A_199 = arith.constant 4 : i32
    %swap3A_200 = arith.index_cast %swap3A_199 : i32 to index
    %swap3A_201 = arith.constant 16 : index
    %swap3A_202 = tpu.vector_load %arg5[%swap3A_200, %swap3A_201] {strides = array<i32>} : memref<8x128xf32, #tpu.memory_space<vmem>>, vector<16xf32>,
    tpu.vector_store %arg5[%swap3A_200, %swap3A_201], %broadcast_in_dim3A_198 {strides = array<i32>} : memref<8x128xf32, #tpu.memory_space<vmem>>, vector<16xf32>,
    %broadcast_in_dim3A_203 = arith.constant 0.000000e+00 : f32
    %broadcast_in_dim3A_204 = vector.broadcast %broadcast_in_dim3A_203 : f32 to vector<16xf32>
    %swap3A_205 = arith.constant 4 : i32
    %swap3A_206 = arith.index_cast %swap3A_205 : i32 to index
    %swap3A_207 = arith.constant 32 : index
    %swap3A_208 = tpu.vector_load %arg5[%swap3A_206, %swap3A_207] {strides = array<i32>} : memref<8x128xf32, #tpu.memory_space<vmem>>, vector<16xf32>,
    tpu.vector_store %arg5[%swap3A_206, %swap3A_207], %broadcast_in_dim3A_204 {strides = array<i32>} : memref<8x128xf32, #tpu.memory_space<vmem>>, vector<16xf32>,
    %broadcast_in_dim3A_209 = arith.constant 0.000000e+00 : f32
    %broadcast_in_dim3A_210 = vector.broadcast %broadcast_in_dim3A_209 : f32 to vector<16xf32>
    %swap3A_211 = arith.constant 4 : i32
    %swap3A_212 = arith.index_cast %swap3A_211 : i32 to index
    %swap3A_213 = arith.constant 48 : index
    %swap3A_214 = tpu.vector_load %arg5[%swap3A_212, %swap3A_213] {strides = array<i32>} : memref<8x128xf32, #tpu.memory_space<vmem>>, vector<16xf32>,
    tpu.vector_store %arg5[%swap3A_212, %swap3A_213], %broadcast_in_dim3A_210 {strides = array<i32>} : memref<8x128xf32, #tpu.memory_space<vmem>>, vector<16xf32>,
    %broadcast_in_dim3A_215 = arith.constant 0.000000e+00 : f32
    %broadcast_in_dim3A_216 = vector.broadcast %broadcast_in_dim3A_215 : f32 to vector<16xf32>
    %swap3A_217 = arith.constant 4 : i32
    %swap3A_218 = arith.index_cast %swap3A_217 : i32 to index
    %swap3A_219 = arith.constant 64 : index
    %swap3A_220 = tpu.vector_load %arg5[%swap3A_218, %swap3A_219] {strides = array<i32>} : memref<8x128xf32, #tpu.memory_space<vmem>>, vector<16xf32>,
    tpu.vector_store %arg5[%swap3A_218, %swap3A_219], %broadcast_in_dim3A_216 {strides = array<i32>} : memref<8x128xf32, #tpu.memory_space<vmem>>, vector<16xf32>,
    %broadcast_in_dim3A_221 = arith.constant 0.000000e+00 : f32
    %broadcast_in_dim3A_222 = vector.broadcast %broadcast_in_dim3A_221 : f32 to vector<16xf32>
    %swap3A_223 = arith.constant 4 : i32
    %swap3A_224 = arith.index_cast %swap3A_223 : i32 to index
    %swap3A_225 = arith.constant 80 : index
    %swap3A_226 = tpu.vector_load %arg5[%swap3A_224, %swap3A_225] {strides = array<i32>} : memref<8x128xf32, #tpu.memory_space<vmem>>, vector<16xf32>,
    tpu.vector_store %arg5[%swap3A_224, %swap3A_225], %broadcast_in_dim3A_222 {strides = array<i32>} : memref<8x128xf32, #tpu.memory_space<vmem>>, vector<16xf32>,
    %broadcast_in_dim3A_227 = arith.constant 0.000000e+00 : f32
    %broadcast_in_dim3A_228 = vector.broadcast %broadcast_in_dim3A_227 : f32 to vector<16xf32>
    %swap3A_229 = arith.constant 4 : i32
    %swap3A_230 = arith.index_cast %swap3A_229 : i32 to index
    %swap3A_231 = arith.constant 96 : index
    %swap3A_232 = tpu.vector_load %arg5[%swap3A_230, %swap3A_231] {strides = array<i32>} : memref<8x128xf32, #tpu.memory_space<vmem>>, vector<16xf32>,
    tpu.vector_store %arg5[%swap3A_230, %swap3A_231], %broadcast_in_dim3A_228 {strides = array<i32>} : memref<8x128xf32, #tpu.memory_space<vmem>>, vector<16xf32>,
    %broadcast_in_dim3A_233 = arith.constant 0.000000e+00 : f32
    %broadcast_in_dim3A_234 = vector.broadcast %broadcast_in_dim3A_233 : f32 to vector<16xf32>
    %swap3A_235 = arith.constant 4 : i32
    %swap3A_236 = arith.index_cast %swap3A_235 : i32 to index
    %swap3A_237 = arith.constant 112 : index
    %swap3A_238 = tpu.vector_load %arg5[%swap3A_236, %swap3A_237] {strides = array<i32>} : memref<8x128xf32, #tpu.memory_space<vmem>>, vector<16xf32>,
    tpu.vector_store %arg5[%swap3A_236, %swap3A_237], %broadcast_in_dim3A_234 {strides = array<i32>} : memref<8x128xf32, #tpu.memory_space<vmem>>, vector<16xf32>,
    %broadcast_in_dim3A_239 = arith.constant 0.000000e+00 : f32
    %broadcast_in_dim3A_240 = vector.broadcast %broadcast_in_dim3A_239 : f32 to vector<16xf32>
    %swap3A_241 = arith.constant 5 : i32
    %swap3A_242 = arith.index_cast %swap3A_241 : i32 to index
    %swap3A_243 = arith.constant 0 : index
    %swap3A_244 = tpu.vector_load %arg5[%swap3A_242, %swap3A_243] {strides = array<i32>} : memref<8x128xf32, #tpu.memory_space<vmem>>, vector<16xf32>,
    tpu.vector_store %arg5[%swap3A_242, %swap3A_243], %broadcast_in_dim3A_240 {strides = array<i32>} : memref<8x128xf32, #tpu.memory_space<vmem>>, vector<16xf32>,
    %broadcast_in_dim3A_245 = arith.constant 0.000000e+00 : f32
    %broadcast_in_dim3A_246 = vector.broadcast %broadcast_in_dim3A_245 : f32 to vector<16xf32>
    %swap3A_247 = arith.constant 5 : i32
    %swap3A_248 = arith.index_cast %swap3A_247 : i32 to index
    %swap3A_249 = arith.constant 16 : index
    %swap3A_250 = tpu.vector_load %arg5[%swap3A_248, %swap3A_249] {strides = array<i32>} : memref<8x128xf32, #tpu.memory_space<vmem>>, vector<16xf32>,
    tpu.vector_store %arg5[%swap3A_248, %swap3A_249], %broadcast_in_dim3A_246 {strides = array<i32>} : memref<8x128xf32, #tpu.memory_space<vmem>>, vector<16xf32>,
    %broadcast_in_dim3A_251 = arith.constant 0.000000e+00 : f32
    %broadcast_in_dim3A_252 = vector.broadcast %broadcast_in_dim3A_251 : f32 to vector<16xf32>
    %swap3A_253 = arith.constant 5 : i32
    %swap3A_254 = arith.index_cast %swap3A_253 : i32 to index
    %swap3A_255 = arith.constant 32 : index
    %swap3A_256 = tpu.vector_load %arg5[%swap3A_254, %swap3A_255] {strides = array<i32>} : memref<8x128xf32, #tpu.memory_space<vmem>>, vector<16xf32>,
    tpu.vector_store %arg5[%swap3A_254, %swap3A_255], %broadcast_in_dim3A_252 {strides = array<i32>} : memref<8x128xf32, #tpu.memory_space<vmem>>, vector<16xf32>,
    %broadcast_in_dim3A_257 = arith.constant 0.000000e+00 : f32
    %broadcast_in_dim3A_258 = vector.broadcast %broadcast_in_dim3A_257 : f32 to vector<16xf32>
    %swap3A_259 = arith.constant 5 : i32
    %swap3A_260 = arith.index_cast %swap3A_259 : i32 to index
    %swap3A_261 = arith.constant 48 : index
    %swap3A_262 = tpu.vector_load %arg5[%swap3A_260, %swap3A_261] {strides = array<i32>} : memref<8x128xf32, #tpu.memory_space<vmem>>, vector<16xf32>,
    tpu.vector_store %arg5[%swap3A_260, %swap3A_261], %broadcast_in_dim3A_258 {strides = array<i32>} : memref<8x128xf32, #tpu.memory_space<vmem>>, vector<16xf32>,
    %broadcast_in_dim3A_263 = arith.constant 0.000000e+00 : f32
    %broadcast_in_dim3A_264 = vector.broadcast %broadcast_in_dim3A_263 : f32 to vector<16xf32>
    %swap3A_265 = arith.constant 5 : i32
    %swap3A_266 = arith.index_cast %swap3A_265 : i32 to index
    %swap3A_267 = arith.constant 64 : index
    %swap3A_268 = tpu.vector_load %arg5[%swap3A_266, %swap3A_267] {strides = array<i32>} : memref<8x128xf32, #tpu.memory_space<vmem>>, vector<16xf32>,
    tpu.vector_store %arg5[%swap3A_266, %swap3A_267], %broadcast_in_dim3A_264 {strides = array<i32>} : memref<8x128xf32, #tpu.memory_space<vmem>>, vector<16xf32>,
    %broadcast_in_dim3A_269 = arith.constant 0.000000e+00 : f32
    %broadcast_in_dim3A_270 = vector.broadcast %broadcast_in_dim3A_269 : f32 to vector<16xf32>
    %swap3A_271 = arith.constant 5 : i32
    %swap3A_272 = arith.index_cast %swap3A_271 : i32 to index
    %swap3A_273 = arith.constant 80 : index
    %swap3A_274 = tpu.vector_load %arg5[%swap3A_272, %swap3A_273] {strides = array<i32>} : memref<8x128xf32, #tpu.memory_space<vmem>>, vector<16xf32>,
    tpu.vector_store %arg5[%swap3A_272, %swap3A_273], %broadcast_in_dim3A_270 {strides = array<i32>} : memref<8x128xf32, #tpu.memory_space<vmem>>, vector<16xf32>,
    %broadcast_in_dim3A_275 = arith.constant 0.000000e+00 : f32
    %broadcast_in_dim3A_276 = vector.broadcast %broadcast_in_dim3A_275 : f32 to vector<16xf32>
    %swap3A_277 = arith.constant 5 : i32
    %swap3A_278 = arith.index_cast %swap3A_277 : i32 to index
    %swap3A_279 = arith.constant 96 : index
    %swap3A_280 = tpu.vector_load %arg5[%swap3A_278, %swap3A_279] {strides = array<i32>} : memref<8x128xf32, #tpu.memory_space<vmem>>, vector<16xf32>,
    tpu.vector_store %arg5[%swap3A_278, %swap3A_279], %broadcast_in_dim3A_276 {strides = array<i32>} : memref<8x128xf32, #tpu.memory_space<vmem>>, vector<16xf32>,
    %broadcast_in_dim3A_281 = arith.constant 0.000000e+00 : f32
    %broadcast_in_dim3A_282 = vector.broadcast %broadcast_in_dim3A_281 : f32 to vector<16xf32>
    %swap3A_283 = arith.constant 5 : i32
    %swap3A_284 = arith.index_cast %swap3A_283 : i32 to index
    %swap3A_285 = arith.constant 112 : index
    %swap3A_286 = tpu.vector_load %arg5[%swap3A_284, %swap3A_285] {strides = array<i32>} : memref<8x128xf32, #tpu.memory_space<vmem>>, vector<16xf32>,
    tpu.vector_store %arg5[%swap3A_284, %swap3A_285], %broadcast_in_dim3A_282 {strides = array<i32>} : memref<8x128xf32, #tpu.memory_space<vmem>>, vector<16xf32>,
    %broadcast_in_dim3A_287 = arith.constant 0.000000e+00 : f32
    %broadcast_in_dim3A_288 = vector.broadcast %broadcast_in_dim3A_287 : f32 to vector<16xf32>
    %swap3A_289 = arith.constant 6 : i32
    %swap3A_290 = arith.index_cast %swap3A_289 : i32 to index
    %swap3A_291 = arith.constant 0 : index
    %swap3A_292 = tpu.vector_load %arg5[%swap3A_290, %swap3A_291] {strides = array<i32>} : memref<8x128xf32, #tpu.memory_space<vmem>>, vector<16xf32>,
    tpu.vector_store %arg5[%swap3A_290, %swap3A_291], %broadcast_in_dim3A_288 {strides = array<i32>} : memref<8x128xf32, #tpu.memory_space<vmem>>, vector<16xf32>,
    %broadcast_in_dim3A_293 = arith.constant 0.000000e+00 : f32
    %broadcast_in_dim3A_294 = vector.broadcast %broadcast_in_dim3A_293 : f32 to vector<16xf32>
    %swap3A_295 = arith.constant 6 : i32
    %swap3A_296 = arith.index_cast %swap3A_295 : i32 to index
    %swap3A_297 = arith.constant 16 : index
    %swap3A_298 = tpu.vector_load %arg5[%swap3A_296, %swap3A_297] {strides = array<i32>} : memref<8x128xf32, #tpu.memory_space<vmem>>, vector<16xf32>,
    tpu.vector_store %arg5[%swap3A_296, %swap3A_297], %broadcast_in_dim3A_294 {strides = array<i32>} : memref<8x128xf32, #tpu.memory_space<vmem>>, vector<16xf32>,
    %broadcast_in_dim3A_299 = arith.constant 0.000000e+00 : f32
    %broadcast_in_dim3A_300 = vector.broadcast %broadcast_in_dim3A_299 : f32 to vector<16xf32>
    %swap3A_301 = arith.constant 6 : i32
    %swap3A_302 = arith.index_cast %swap3A_301 : i32 to index
    %swap3A_303 = arith.constant 32 : index
    %swap3A_304 = tpu.vector_load %arg5[%swap3A_302, %swap3A_303] {strides = array<i32>} : memref<8x128xf32, #tpu.memory_space<vmem>>, vector<16xf32>,
    tpu.vector_store %arg5[%swap3A_302, %swap3A_303], %broadcast_in_dim3A_300 {strides = array<i32>} : memref<8x128xf32, #tpu.memory_space<vmem>>, vector<16xf32>,
    %broadcast_in_dim3A_305 = arith.constant 0.000000e+00 : f32
    %broadcast_in_dim3A_306 = vector.broadcast %broadcast_in_dim3A_305 : f32 to vector<16xf32>
    %swap3A_307 = arith.constant 6 : i32
    %swap3A_308 = arith.index_cast %swap3A_307 : i32 to index
    %swap3A_309 = arith.constant 48 : index
    %swap3A_310 = tpu.vector_load %arg5[%swap3A_308, %swap3A_309] {strides = array<i32>} : memref<8x128xf32, #tpu.memory_space<vmem>>, vector<16xf32>,
    tpu.vector_store %arg5[%swap3A_308, %swap3A_309], %broadcast_in_dim3A_306 {strides = array<i32>} : memref<8x128xf32, #tpu.memory_space<vmem>>, vector<16xf32>,
    %broadcast_in_dim3A_311 = arith.constant 0.000000e+00 : f32
    %broadcast_in_dim3A_312 = vector.broadcast %broadcast_in_dim3A_311 : f32 to vector<16xf32>
    %swap3A_313 = arith.constant 6 : i32
    %swap3A_314 = arith.index_cast %swap3A_313 : i32 to index
    %swap3A_315 = arith.constant 64 : index
    %swap3A_316 = tpu.vector_load %arg5[%swap3A_314, %swap3A_315] {strides = array<i32>} : memref<8x128xf32, #tpu.memory_space<vmem>>, vector<16xf32>,
    tpu.vector_store %arg5[%swap3A_314, %swap3A_315], %broadcast_in_dim3A_312 {strides = array<i32>} : memref<8x128xf32, #tpu.memory_space<vmem>>, vector<16xf32>,
    %broadcast_in_dim3A_317 = arith.constant 0.000000e+00 : f32
    %broadcast_in_dim3A_318 = vector.broadcast %broadcast_in_dim3A_317 : f32 to vector<16xf32>
    %swap3A_319 = arith.constant 6 : i32
    %swap3A_320 = arith.index_cast %swap3A_319 : i32 to index
    %swap3A_321 = arith.constant 80 : index
    %swap3A_322 = tpu.vector_load %arg5[%swap3A_320, %swap3A_321] {strides = array<i32>} : memref<8x128xf32, #tpu.memory_space<vmem>>, vector<16xf32>,
    tpu.vector_store %arg5[%swap3A_320, %swap3A_321], %broadcast_in_dim3A_318 {strides = array<i32>} : memref<8x128xf32, #tpu.memory_space<vmem>>, vector<16xf32>,
    %broadcast_in_dim3A_323 = arith.constant 0.000000e+00 : f32
    %broadcast_in_dim3A_324 = vector.broadcast %broadcast_in_dim3A_323 : f32 to vector<16xf32>
    %swap3A_325 = arith.constant 6 : i32
    %swap3A_326 = arith.index_cast %swap3A_325 : i32 to index
    %swap3A_327 = arith.constant 96 : index
    %swap3A_328 = tpu.vector_load %arg5[%swap3A_326, %swap3A_327] {strides = array<i32>} : memref<8x128xf32, #tpu.memory_space<vmem>>, vector<16xf32>,
    tpu.vector_store %arg5[%swap3A_326, %swap3A_327], %broadcast_in_dim3A_324 {strides = array<i32>} : memref<8x128xf32, #tpu.memory_space<vmem>>, vector<16xf32>,
    %broadcast_in_dim3A_329 = arith.constant 0.000000e+00 : f32
    %broadcast_in_dim3A_330 = vector.broadcast %broadcast_in_dim3A_329 : f32 to vector<16xf32>
    %swap3A_331 = arith.constant 6 : i32
    %swap3A_332 = arith.index_cast %swap3A_331 : i32 to index
    %swap3A_333 = arith.constant 112 : index
    %swap3A_334 = tpu.vector_load %arg5[%swap3A_332, %swap3A_333] {strides = array<i32>} : memref<8x128xf32, #tpu.memory_space<vmem>>, vector<16xf32>,
    tpu.vector_store %arg5[%swap3A_332, %swap3A_333], %broadcast_in_dim3A_330 {strides = array<i32>} : memref<8x128xf32, #tpu.memory_space<vmem>>, vector<16xf32>,
    %broadcast_in_dim3A_335 = arith.constant 0.000000e+00 : f32
    %broadcast_in_dim3A_336 = vector.broadcast %broadcast_in_dim3A_335 : f32 to vector<16xf32>
    %swap3A_337 = arith.constant 7 : i32
    %swap3A_338 = arith.index_cast %swap3A_337 : i32 to index
    %swap3A_339 = arith.constant 0 : index
    %swap3A_340 = tpu.vector_load %arg5[%swap3A_338, %swap3A_339] {strides = array<i32>} : memref<8x128xf32, #tpu.memory_space<vmem>>, vector<16xf32>,
    tpu.vector_store %arg5[%swap3A_338, %swap3A_339], %broadcast_in_dim3A_336 {strides = array<i32>} : memref<8x128xf32, #tpu.memory_space<vmem>>, vector<16xf32>,
    %broadcast_in_dim3A_341 = arith.constant 0.000000e+00 : f32
    %broadcast_in_dim3A_342 = vector.broadcast %broadcast_in_dim3A_341 : f32 to vector<16xf32>
    %swap3A_343 = arith.constant 7 : i32
    %swap3A_344 = arith.index_cast %swap3A_343 : i32 to index
    %swap3A_345 = arith.constant 16 : index
    %swap3A_346 = tpu.vector_load %arg5[%swap3A_344, %swap3A_345] {strides = array<i32>} : memref<8x128xf32, #tpu.memory_space<vmem>>, vector<16xf32>,
    tpu.vector_store %arg5[%swap3A_344, %swap3A_345], %broadcast_in_dim3A_342 {strides = array<i32>} : memref<8x128xf32, #tpu.memory_space<vmem>>, vector<16xf32>,
    %broadcast_in_dim3A_347 = arith.constant 0.000000e+00 : f32
    %broadcast_in_dim3A_348 = vector.broadcast %broadcast_in_dim3A_347 : f32 to vector<16xf32>
    %swap3A_349 = arith.constant 7 : i32
    %swap3A_350 = arith.index_cast %swap3A_349 : i32 to index
    %swap3A_351 = arith.constant 32 : index
    %swap3A_352 = tpu.vector_load %arg5[%swap3A_350, %swap3A_351] {strides = array<i32>} : memref<8x128xf32, #tpu.memory_space<vmem>>, vector<16xf32>,
    tpu.vector_store %arg5[%swap3A_350, %swap3A_351], %broadcast_in_dim3A_348 {strides = array<i32>} : memref<8x128xf32, #tpu.memory_space<vmem>>, vector<16xf32>,
    %broadcast_in_dim3A_353 = arith.constant 0.000000e+00 : f32
    %broadcast_in_dim3A_354 = vector.broadcast %broadcast_in_dim3A_353 : f32 to vector<16xf32>
    %swap3A_355 = arith.constant 7 : i32
    %swap3A_356 = arith.index_cast %swap3A_355 : i32 to index
    %swap3A_357 = arith.constant 48 : index
    %swap3A_358 = tpu.vector_load %arg5[%swap3A_356, %swap3A_357] {strides = array<i32>} : memref<8x128xf32, #tpu.memory_space<vmem>>, vector<16xf32>,
    tpu.vector_store %arg5[%swap3A_356, %swap3A_357], %broadcast_in_dim3A_354 {strides = array<i32>} : memref<8x128xf32, #tpu.memory_space<vmem>>, vector<16xf32>,
    %broadcast_in_dim3A_359 = arith.constant 0.000000e+00 : f32
    %broadcast_in_dim3A_360 = vector.broadcast %broadcast_in_dim3A_359 : f32 to vector<16xf32>
    %swap3A_361 = arith.constant 7 : i32
    %swap3A_362 = arith.index_cast %swap3A_361 : i32 to index
    %swap3A_363 = arith.constant 64 : index
    %swap3A_364 = tpu.vector_load %arg5[%swap3A_362, %swap3A_363] {strides = array<i32>} : memref<8x128xf32, #tpu.memory_space<vmem>>, vector<16xf32>,
    tpu.vector_store %arg5[%swap3A_362, %swap3A_363], %broadcast_in_dim3A_360 {strides = array<i32>} : memref<8x128xf32, #tpu.memory_space<vmem>>, vector<16xf32>,
    %broadcast_in_dim3A_365 = arith.constant 0.000000e+00 : f32
    %broadcast_in_dim3A_366 = vector.broadcast %broadcast_in_dim3A_365 : f32 to vector<16xf32>
    %swap3A_367 = arith.constant 7 : i32
    %swap3A_368 = arith.index_cast %swap3A_367 : i32 to index
    %swap3A_369 = arith.constant 80 : index
    %swap3A_370 = tpu.vector_load %arg5[%swap3A_368, %swap3A_369] {strides = array<i32>} : memref<8x128xf32, #tpu.memory_space<vmem>>, vector<16xf32>,
    tpu.vector_store %arg5[%swap3A_368, %swap3A_369], %broadcast_in_dim3A_366 {strides = array<i32>} : memref<8x128xf32, #tpu.memory_space<vmem>>, vector<16xf32>,
    %broadcast_in_dim3A_371 = arith.constant 0.000000e+00 : f32
    %broadcast_in_dim3A_372 = vector.broadcast %broadcast_in_dim3A_371 : f32 to vector<16xf32>
    %swap3A_373 = arith.constant 7 : i32
    %swap3A_374 = arith.index_cast %swap3A_373 : i32 to index
    %swap3A_375 = arith.constant 96 : index
    %swap3A_376 = tpu.vector_load %arg5[%swap3A_374, %swap3A_375] {strides = array<i32>} : memref<8x128xf32, #tpu.memory_space<vmem>>, vector<16xf32>,
    tpu.vector_store %arg5[%swap3A_374, %swap3A_375], %broadcast_in_dim3A_372 {strides = array<i32>} : memref<8x128xf32, #tpu.memory_space<vmem>>, vector<16xf32>,
    %broadcast_in_dim3A_377 = arith.constant 0.000000e+00 : f32
    %broadcast_in_dim3A_378 = vector.broadcast %broadcast_in_dim3A_377 : f32 to vector<16xf32>
    %swap3A_379 = arith.constant 7 : i32
    %swap3A_380 = arith.index_cast %swap3A_379 : i32 to index
    %swap3A_381 = arith.constant 112 : index
    %swap3A_382 = tpu.vector_load %arg5[%swap3A_380, %swap3A_381] {strides = array<i32>} : memref<8x128xf32, #tpu.memory_space<vmem>>, vector<16xf32>,
    tpu.vector_store %arg5[%swap3A_380, %swap3A_381], %broadcast_in_dim3A_378 {strides = array<i32>} : memref<8x128xf32, #tpu.memory_space<vmem>>, vector<16xf32>,
    %broadcast_in_dim3A_383 = arith.constant 1.000000e+00 : f32
    %broadcast_in_dim3A_384 = vector.broadcast %broadcast_in_dim3A_383 : f32 to vector<16xf32>
    %get3A = arith.constant 0 : i32
    %get3A_385 = arith.index_cast %get3A : i32 to index
    %get3A_386 = arith.constant 0 : index
    %get3A_387 = tpu.vector_load %arg4[%get3A_385, %get3A_386] {strides = array<i32>} : memref<16x128xi32, #tpu.memory_space<vmem>>, vector<16xi32>,
    %shift_right_logical3A = arith.constant 7 : i32
    %shift_right_logical3A_388 = vector.broadcast %shift_right_logical3A : i32 to vector<16xi32>
    %shift_right_logical3A_389 = arith.shrui %get3A_387, %shift_right_logical3A_388 : vector<16xi32>
    %and3A = arith.constant 127 : i32
    %and3A_390 = vector.broadcast %and3A : i32 to vector<16xi32>
    %and3A_391 = arith.andi %get3A_387, %and3A_390 : vector<16xi32>
    tpu.vector_store_idx %arg5[%shift_right_logical3A_389, %and3A_391], %broadcast_in_dim3A_384 {add = true} : memref<8x128xf32, #tpu.memory_space<vmem>>[vector<16xi32>, vector<16xi32>], vector<16xf32>,
    %get3A_392 = arith.constant 0 : i32
    %get3A_393 = arith.index_cast %get3A_392 : i32 to index
    %get3A_394 = arith.constant 16 : index
    %get3A_395 = tpu.vector_load %arg4[%get3A_393, %get3A_394] {strides = array<i32>} : memref<16x128xi32, #tpu.memory_space<vmem>>, vector<16xi32>,
    %shift_right_logical3A_396 = arith.constant 7 : i32
    %shift_right_logical3A_397 = vector.broadcast %shift_right_logical3A_396 : i32 to vector<16xi32>
    %shift_right_logical3A_398 = arith.shrui %get3A_395, %shift_right_logical3A_397 : vector<16xi32>
    %and3A_399 = arith.constant 127 : i32
    %and3A_400 = vector.broadcast %and3A_399 : i32 to vector<16xi32>
    %and3A_401 = arith.andi %get3A_395, %and3A_400 : vector<16xi32>
    tpu.vector_store_idx %arg5[%shift_right_logical3A_398, %and3A_401], %broadcast_in_dim3A_384 {add = true} : memref<8x128xf32, #tpu.memory_space<vmem>>[vector<16xi32>, vector<16xi32>], vector<16xf32>,
    %get3A_402 = arith.constant 0 : i32
    %get3A_403 = arith.index_cast %get3A_402 : i32 to index
    %get3A_404 = arith.constant 32 : index
    %get3A_405 = tpu.vector_load %arg4[%get3A_403, %get3A_404] {strides = array<i32>} : memref<16x128xi32, #tpu.memory_space<vmem>>, vector<16xi32>,
    %shift_right_logical3A_406 = arith.constant 7 : i32
    %shift_right_logical3A_407 = vector.broadcast %shift_right_logical3A_406 : i32 to vector<16xi32>
    %shift_right_logical3A_408 = arith.shrui %get3A_405, %shift_right_logical3A_407 : vector<16xi32>
    %and3A_409 = arith.constant 127 : i32
    %and3A_410 = vector.broadcast %and3A_409 : i32 to vector<16xi32>
    %and3A_411 = arith.andi %get3A_405, %and3A_410 : vector<16xi32>
    tpu.vector_store_idx %arg5[%shift_right_logical3A_408, %and3A_411], %broadcast_in_dim3A_384 {add = true} : memref<8x128xf32, #tpu.memory_space<vmem>>[vector<16xi32>, vector<16xi32>], vector<16xf32>,
    %get3A_412 = arith.constant 0 : i32
    %get3A_413 = arith.index_cast %get3A_412 : i32 to index
    %get3A_414 = arith.constant 48 : index
    %get3A_415 = tpu.vector_load %arg4[%get3A_413, %get3A_414] {strides = array<i32>} : memref<16x128xi32, #tpu.memory_space<vmem>>, vector<16xi32>,
    %shift_right_logical3A_416 = arith.constant 7 : i32
    %shift_right_logical3A_417 = vector.broadcast %shift_right_logical3A_416 : i32 to vector<16xi32>
    %shift_right_logical3A_418 = arith.shrui %get3A_415, %shift_right_logical3A_417 : vector<16xi32>
    %and3A_419 = arith.constant 127 : i32
    %and3A_420 = vector.broadcast %and3A_419 : i32 to vector<16xi32>
    %and3A_421 = arith.andi %get3A_415, %and3A_420 : vector<16xi32>
    tpu.vector_store_idx %arg5[%shift_right_logical3A_418, %and3A_421], %broadcast_in_dim3A_384 {add = true} : memref<8x128xf32, #tpu.memory_space<vmem>>[vector<16xi32>, vector<16xi32>], vector<16xf32>,
    %get3A_422 = arith.constant 0 : i32
    %get3A_423 = arith.index_cast %get3A_422 : i32 to index
    %get3A_424 = arith.constant 64 : index
    %get3A_425 = tpu.vector_load %arg4[%get3A_423, %get3A_424] {strides = array<i32>} : memref<16x128xi32, #tpu.memory_space<vmem>>, vector<16xi32>,
    %shift_right_logical3A_426 = arith.constant 7 : i32
    %shift_right_logical3A_427 = vector.broadcast %shift_right_logical3A_426 : i32 to vector<16xi32>
    %shift_right_logical3A_428 = arith.shrui %get3A_425, %shift_right_logical3A_427 : vector<16xi32>
    %and3A_429 = arith.constant 127 : i32
    %and3A_430 = vector.broadcast %and3A_429 : i32 to vector<16xi32>
    %and3A_431 = arith.andi %get3A_425, %and3A_430 : vector<16xi32>
    tpu.vector_store_idx %arg5[%shift_right_logical3A_428, %and3A_431], %broadcast_in_dim3A_384 {add = true} : memref<8x128xf32, #tpu.memory_space<vmem>>[vector<16xi32>, vector<16xi32>], vector<16xf32>,
    %get3A_432 = arith.constant 0 : i32
    %get3A_433 = arith.index_cast %get3A_432 : i32 to index
    %get3A_434 = arith.constant 80 : index
    %get3A_435 = tpu.vector_load %arg4[%get3A_433, %get3A_434] {strides = array<i32>} : memref<16x128xi32, #tpu.memory_space<vmem>>, vector<16xi32>,
    %shift_right_logical3A_436 = arith.constant 7 : i32
    %shift_right_logical3A_437 = vector.broadcast %shift_right_logical3A_436 : i32 to vector<16xi32>
    %shift_right_logical3A_438 = arith.shrui %get3A_435, %shift_right_logical3A_437 : vector<16xi32>
    %and3A_439 = arith.constant 127 : i32
    %and3A_440 = vector.broadcast %and3A_439 : i32 to vector<16xi32>
    %and3A_441 = arith.andi %get3A_435, %and3A_440 : vector<16xi32>
    tpu.vector_store_idx %arg5[%shift_right_logical3A_438, %and3A_441], %broadcast_in_dim3A_384 {add = true} : memref<8x128xf32, #tpu.memory_space<vmem>>[vector<16xi32>, vector<16xi32>], vector<16xf32>,
    %get3A_442 = arith.constant 0 : i32
    %get3A_443 = arith.index_cast %get3A_442 : i32 to index
    %get3A_444 = arith.constant 96 : index
    %get3A_445 = tpu.vector_load %arg4[%get3A_443, %get3A_444] {strides = array<i32>} : memref<16x128xi32, #tpu.memory_space<vmem>>, vector<16xi32>,
    %shift_right_logical3A_446 = arith.constant 7 : i32
    %shift_right_logical3A_447 = vector.broadcast %shift_right_logical3A_446 : i32 to vector<16xi32>
    %shift_right_logical3A_448 = arith.shrui %get3A_445, %shift_right_logical3A_447 : vector<16xi32>
    %and3A_449 = arith.constant 127 : i32
    %and3A_450 = vector.broadcast %and3A_449 : i32 to vector<16xi32>
    %and3A_451 = arith.andi %get3A_445, %and3A_450 : vector<16xi32>
    tpu.vector_store_idx %arg5[%shift_right_logical3A_448, %and3A_451], %broadcast_in_dim3A_384 {add = true} : memref<8x128xf32, #tpu.memory_space<vmem>>[vector<16xi32>, vector<16xi32>], vector<16xf32>,
    %get3A_452 = arith.constant 0 : i32
    %get3A_453 = arith.index_cast %get3A_452 : i32 to index
    %get3A_454 = arith.constant 112 : index
    %get3A_455 = tpu.vector_load %arg4[%get3A_453, %get3A_454] {strides = array<i32>} : memref<16x128xi32, #tpu.memory_space<vmem>>, vector<16xi32>,
    %shift_right_logical3A_456 = arith.constant 7 : i32
    %shift_right_logical3A_457 = vector.broadcast %shift_right_logical3A_456 : i32 to vector<16xi32>
    %shift_right_logical3A_458 = arith.shrui %get3A_455, %shift_right_logical3A_457 : vector<16xi32>
    %and3A_459 = arith.constant 127 : i32
    %and3A_460 = vector.broadcast %and3A_459 : i32 to vector<16xi32>
    %and3A_461 = arith.andi %get3A_455, %and3A_460 : vector<16xi32>
    tpu.vector_store_idx %arg5[%shift_right_logical3A_458, %and3A_461], %broadcast_in_dim3A_384 {add = true} : memref<8x128xf32, #tpu.memory_space<vmem>>[vector<16xi32>, vector<16xi32>], vector<16xf32>,
    %get3A_462 = arith.constant 1 : i32
    %get3A_463 = arith.index_cast %get3A_462 : i32 to index
    %get3A_464 = arith.constant 0 : index
    %get3A_465 = tpu.vector_load %arg4[%get3A_463, %get3A_464] {strides = array<i32>} : memref<16x128xi32, #tpu.memory_space<vmem>>, vector<16xi32>,
    %shift_right_logical3A_466 = arith.constant 7 : i32
    %shift_right_logical3A_467 = vector.broadcast %shift_right_logical3A_466 : i32 to vector<16xi32>
    %shift_right_logical3A_468 = arith.shrui %get3A_465, %shift_right_logical3A_467 : vector<16xi32>
    %and3A_469 = arith.constant 127 : i32
    %and3A_470 = vector.broadcast %and3A_469 : i32 to vector<16xi32>
    %and3A_471 = arith.andi %get3A_465, %and3A_470 : vector<16xi32>
    tpu.vector_store_idx %arg5[%shift_right_logical3A_468, %and3A_471], %broadcast_in_dim3A_384 {add = true} : memref<8x128xf32, #tpu.memory_space<vmem>>[vector<16xi32>, vector<16xi32>], vector<16xf32>,
    %get3A_472 = arith.constant 1 : i32
    %get3A_473 = arith.index_cast %get3A_472 : i32 to index
    %get3A_474 = arith.constant 16 : index
    %get3A_475 = tpu.vector_load %arg4[%get3A_473, %get3A_474] {strides = array<i32>} : memref<16x128xi32, #tpu.memory_space<vmem>>, vector<16xi32>,
    %shift_right_logical3A_476 = arith.constant 7 : i32
    %shift_right_logical3A_477 = vector.broadcast %shift_right_logical3A_476 : i32 to vector<16xi32>
    %shift_right_logical3A_478 = arith.shrui %get3A_475, %shift_right_logical3A_477 : vector<16xi32>
    %and3A_479 = arith.constant 127 : i32
    %and3A_480 = vector.broadcast %and3A_479 : i32 to vector<16xi32>
    %and3A_481 = arith.andi %get3A_475, %and3A_480 : vector<16xi32>
    tpu.vector_store_idx %arg5[%shift_right_logical3A_478, %and3A_481], %broadcast_in_dim3A_384 {add = true} : memref<8x128xf32, #tpu.memory_space<vmem>>[vector<16xi32>, vector<16xi32>], vector<16xf32>,
    %get3A_482 = arith.constant 1 : i32
    %get3A_483 = arith.index_cast %get3A_482 : i32 to index
    %get3A_484 = arith.constant 32 : index
    %get3A_485 = tpu.vector_load %arg4[%get3A_483, %get3A_484] {strides = array<i32>} : memref<16x128xi32, #tpu.memory_space<vmem>>, vector<16xi32>,
    %shift_right_logical3A_486 = arith.constant 7 : i32
    %shift_right_logical3A_487 = vector.broadcast %shift_right_logical3A_486 : i32 to vector<16xi32>
    %shift_right_logical3A_488 = arith.shrui %get3A_485, %shift_right_logical3A_487 : vector<16xi32>
    %and3A_489 = arith.constant 127 : i32
    %and3A_490 = vector.broadcast %and3A_489 : i32 to vector<16xi32>
    %and3A_491 = arith.andi %get3A_485, %and3A_490 : vector<16xi32>
    tpu.vector_store_idx %arg5[%shift_right_logical3A_488, %and3A_491], %broadcast_in_dim3A_384 {add = true} : memref<8x128xf32, #tpu.memory_space<vmem>>[vector<16xi32>, vector<16xi32>], vector<16xf32>,
    %get3A_492 = arith.constant 1 : i32
    %get3A_493 = arith.index_cast %get3A_492 : i32 to index
    %get3A_494 = arith.constant 48 : index
    %get3A_495 = tpu.vector_load %arg4[%get3A_493, %get3A_494] {strides = array<i32>} : memref<16x128xi32, #tpu.memory_space<vmem>>, vector<16xi32>,
    %shift_right_logical3A_496 = arith.constant 7 : i32
    %shift_right_logical3A_497 = vector.broadcast %shift_right_logical3A_496 : i32 to vector<16xi32>
    %shift_right_logical3A_498 = arith.shrui %get3A_495, %shift_right_logical3A_497 : vector<16xi32>
    %and3A_499 = arith.constant 127 : i32
    %and3A_500 = vector.broadcast %and3A_499 : i32 to vector<16xi32>
    %and3A_501 = arith.andi %get3A_495, %and3A_500 : vector<16xi32>
    tpu.vector_store_idx %arg5[%shift_right_logical3A_498, %and3A_501], %broadcast_in_dim3A_384 {add = true} : memref<8x128xf32, #tpu.memory_space<vmem>>[vector<16xi32>, vector<16xi32>], vector<16xf32>,
    %get3A_502 = arith.constant 1 : i32
    %get3A_503 = arith.index_cast %get3A_502 : i32 to index
    %get3A_504 = arith.constant 64 : index
    %get3A_505 = tpu.vector_load %arg4[%get3A_503, %get3A_504] {strides = array<i32>} : memref<16x128xi32, #tpu.memory_space<vmem>>, vector<16xi32>,
    %shift_right_logical3A_506 = arith.constant 7 : i32
    %shift_right_logical3A_507 = vector.broadcast %shift_right_logical3A_506 : i32 to vector<16xi32>
    %shift_right_logical3A_508 = arith.shrui %get3A_505, %shift_right_logical3A_507 : vector<16xi32>
    %and3A_509 = arith.constant 127 : i32
    %and3A_510 = vector.broadcast %and3A_509 : i32 to vector<16xi32>
    %and3A_511 = arith.andi %get3A_505, %and3A_510 : vector<16xi32>
    tpu.vector_store_idx %arg5[%shift_right_logical3A_508, %and3A_511], %broadcast_in_dim3A_384 {add = true} : memref<8x128xf32, #tpu.memory_space<vmem>>[vector<16xi32>, vector<16xi32>], vector<16xf32>,
    %get3A_512 = arith.constant 1 : i32
    %get3A_513 = arith.index_cast %get3A_512 : i32 to index
    %get3A_514 = arith.constant 80 : index
    %get3A_515 = tpu.vector_load %arg4[%get3A_513, %get3A_514] {strides = array<i32>} : memref<16x128xi32, #tpu.memory_space<vmem>>, vector<16xi32>,
    %shift_right_logical3A_516 = arith.constant 7 : i32
    %shift_right_logical3A_517 = vector.broadcast %shift_right_logical3A_516 : i32 to vector<16xi32>
    %shift_right_logical3A_518 = arith.shrui %get3A_515, %shift_right_logical3A_517 : vector<16xi32>
    %and3A_519 = arith.constant 127 : i32
    %and3A_520 = vector.broadcast %and3A_519 : i32 to vector<16xi32>
    %and3A_521 = arith.andi %get3A_515, %and3A_520 : vector<16xi32>
    tpu.vector_store_idx %arg5[%shift_right_logical3A_518, %and3A_521], %broadcast_in_dim3A_384 {add = true} : memref<8x128xf32, #tpu.memory_space<vmem>>[vector<16xi32>, vector<16xi32>], vector<16xf32>,
    %get3A_522 = arith.constant 1 : i32
    %get3A_523 = arith.index_cast %get3A_522 : i32 to index
    %get3A_524 = arith.constant 96 : index
    %get3A_525 = tpu.vector_load %arg4[%get3A_523, %get3A_524] {strides = array<i32>} : memref<16x128xi32, #tpu.memory_space<vmem>>, vector<16xi32>,
    %shift_right_logical3A_526 = arith.constant 7 : i32
    %shift_right_logical3A_527 = vector.broadcast %shift_right_logical3A_526 : i32 to vector<16xi32>
    %shift_right_logical3A_528 = arith.shrui %get3A_525, %shift_right_logical3A_527 : vector<16xi32>
    %and3A_529 = arith.constant 127 : i32
    %and3A_530 = vector.broadcast %and3A_529 : i32 to vector<16xi32>
    %and3A_531 = arith.andi %get3A_525, %and3A_530 : vector<16xi32>
    tpu.vector_store_idx %arg5[%shift_right_logical3A_528, %and3A_531], %broadcast_in_dim3A_384 {add = true} : memref<8x128xf32, #tpu.memory_space<vmem>>[vector<16xi32>, vector<16xi32>], vector<16xf32>,
    %get3A_532 = arith.constant 1 : i32
    %get3A_533 = arith.index_cast %get3A_532 : i32 to index
    %get3A_534 = arith.constant 112 : index
    %get3A_535 = tpu.vector_load %arg4[%get3A_533, %get3A_534] {strides = array<i32>} : memref<16x128xi32, #tpu.memory_space<vmem>>, vector<16xi32>,
    %shift_right_logical3A_536 = arith.constant 7 : i32
    %shift_right_logical3A_537 = vector.broadcast %shift_right_logical3A_536 : i32 to vector<16xi32>
    %shift_right_logical3A_538 = arith.shrui %get3A_535, %shift_right_logical3A_537 : vector<16xi32>
    %and3A_539 = arith.constant 127 : i32
    %and3A_540 = vector.broadcast %and3A_539 : i32 to vector<16xi32>
    %and3A_541 = arith.andi %get3A_535, %and3A_540 : vector<16xi32>
    tpu.vector_store_idx %arg5[%shift_right_logical3A_538, %and3A_541], %broadcast_in_dim3A_384 {add = true} : memref<8x128xf32, #tpu.memory_space<vmem>>[vector<16xi32>, vector<16xi32>], vector<16xf32>,
    %get3A_542 = arith.constant 2 : i32
    %get3A_543 = arith.index_cast %get3A_542 : i32 to index
    %get3A_544 = arith.constant 0 : index
    %get3A_545 = tpu.vector_load %arg4[%get3A_543, %get3A_544] {strides = array<i32>} : memref<16x128xi32, #tpu.memory_space<vmem>>, vector<16xi32>,
    %shift_right_logical3A_546 = arith.constant 7 : i32
    %shift_right_logical3A_547 = vector.broadcast %shift_right_logical3A_546 : i32 to vector<16xi32>
    %shift_right_logical3A_548 = arith.shrui %get3A_545, %shift_right_logical3A_547 : vector<16xi32>
    %and3A_549 = arith.constant 127 : i32
    %and3A_550 = vector.broadcast %and3A_549 : i32 to vector<16xi32>
    %and3A_551 = arith.andi %get3A_545, %and3A_550 : vector<16xi32>
    tpu.vector_store_idx %arg5[%shift_right_logical3A_548, %and3A_551], %broadcast_in_dim3A_384 {add = true} : memref<8x128xf32, #tpu.memory_space<vmem>>[vector<16xi32>, vector<16xi32>], vector<16xf32>,
    %get3A_552 = arith.constant 2 : i32
    %get3A_553 = arith.index_cast %get3A_552 : i32 to index
    %get3A_554 = arith.constant 16 : index
    %get3A_555 = tpu.vector_load %arg4[%get3A_553, %get3A_554] {strides = array<i32>} : memref<16x128xi32, #tpu.memory_space<vmem>>, vector<16xi32>,
    %shift_right_logical3A_556 = arith.constant 7 : i32
    %shift_right_logical3A_557 = vector.broadcast %shift_right_logical3A_556 : i32 to vector<16xi32>
    %shift_right_logical3A_558 = arith.shrui %get3A_555, %shift_right_logical3A_557 : vector<16xi32>
    %and3A_559 = arith.constant 127 : i32
    %and3A_560 = vector.broadcast %and3A_559 : i32 to vector<16xi32>
    %and3A_561 = arith.andi %get3A_555, %and3A_560 : vector<16xi32>
    tpu.vector_store_idx %arg5[%shift_right_logical3A_558, %and3A_561], %broadcast_in_dim3A_384 {add = true} : memref<8x128xf32, #tpu.memory_space<vmem>>[vector<16xi32>, vector<16xi32>], vector<16xf32>,
    %get3A_562 = arith.constant 2 : i32
    %get3A_563 = arith.index_cast %get3A_562 : i32 to index
    %get3A_564 = arith.constant 32 : index
    %get3A_565 = tpu.vector_load %arg4[%get3A_563, %get3A_564] {strides = array<i32>} : memref<16x128xi32, #tpu.memory_space<vmem>>, vector<16xi32>,
    %shift_right_logical3A_566 = arith.constant 7 : i32
    %shift_right_logical3A_567 = vector.broadcast %shift_right_logical3A_566 : i32 to vector<16xi32>
    %shift_right_logical3A_568 = arith.shrui %get3A_565, %shift_right_logical3A_567 : vector<16xi32>
    %and3A_569 = arith.constant 127 : i32
    %and3A_570 = vector.broadcast %and3A_569 : i32 to vector<16xi32>
    %and3A_571 = arith.andi %get3A_565, %and3A_570 : vector<16xi32>
    tpu.vector_store_idx %arg5[%shift_right_logical3A_568, %and3A_571], %broadcast_in_dim3A_384 {add = true} : memref<8x128xf32, #tpu.memory_space<vmem>>[vector<16xi32>, vector<16xi32>], vector<16xf32>,
    %get3A_572 = arith.constant 2 : i32
    %get3A_573 = arith.index_cast %get3A_572 : i32 to index
    %get3A_574 = arith.constant 48 : index
    %get3A_575 = tpu.vector_load %arg4[%get3A_573, %get3A_574] {strides = array<i32>} : memref<16x128xi32, #tpu.memory_space<vmem>>, vector<16xi32>,
    %shift_right_logical3A_576 = arith.constant 7 : i32
    %shift_right_logical3A_577 = vector.broadcast %shift_right_logical3A_576 : i32 to vector<16xi32>
    %shift_right_logical3A_578 = arith.shrui %get3A_575, %shift_right_logical3A_577 : vector<16xi32>
    %and3A_579 = arith.constant 127 : i32
    %and3A_580 = vector.broadcast %and3A_579 : i32 to vector<16xi32>
    %and3A_581 = arith.andi %get3A_575, %and3A_580 : vector<16xi32>
    tpu.vector_store_idx %arg5[%shift_right_logical3A_578, %and3A_581], %broadcast_in_dim3A_384 {add = true} : memref<8x128xf32, #tpu.memory_space<vmem>>[vector<16xi32>, vector<16xi32>], vector<16xf32>,
    %get3A_582 = arith.constant 2 : i32
    %get3A_583 = arith.index_cast %get3A_582 : i32 to index
    %get3A_584 = arith.constant 64 : index
    %get3A_585 = tpu.vector_load %arg4[%get3A_583, %get3A_584] {strides = array<i32>} : memref<16x128xi32, #tpu.memory_space<vmem>>, vector<16xi32>,
    %shift_right_logical3A_586 = arith.constant 7 : i32
    %shift_right_logical3A_587 = vector.broadcast %shift_right_logical3A_586 : i32 to vector<16xi32>
    %shift_right_logical3A_588 = arith.shrui %get3A_585, %shift_right_logical3A_587 : vector<16xi32>
    %and3A_589 = arith.constant 127 : i32
    %and3A_590 = vector.broadcast %and3A_589 : i32 to vector<16xi32>
    %and3A_591 = arith.andi %get3A_585, %and3A_590 : vector<16xi32>
    tpu.vector_store_idx %arg5[%shift_right_logical3A_588, %and3A_591], %broadcast_in_dim3A_384 {add = true} : memref<8x128xf32, #tpu.memory_space<vmem>>[vector<16xi32>, vector<16xi32>], vector<16xf32>,
    %get3A_592 = arith.constant 2 : i32
    %get3A_593 = arith.index_cast %get3A_592 : i32 to index
    %get3A_594 = arith.constant 80 : index
    %get3A_595 = tpu.vector_load %arg4[%get3A_593, %get3A_594] {strides = array<i32>} : memref<16x128xi32, #tpu.memory_space<vmem>>, vector<16xi32>,
    %shift_right_logical3A_596 = arith.constant 7 : i32
    %shift_right_logical3A_597 = vector.broadcast %shift_right_logical3A_596 : i32 to vector<16xi32>
    %shift_right_logical3A_598 = arith.shrui %get3A_595, %shift_right_logical3A_597 : vector<16xi32>
    %and3A_599 = arith.constant 127 : i32
    %and3A_600 = vector.broadcast %and3A_599 : i32 to vector<16xi32>
    %and3A_601 = arith.andi %get3A_595, %and3A_600 : vector<16xi32>
    tpu.vector_store_idx %arg5[%shift_right_logical3A_598, %and3A_601], %broadcast_in_dim3A_384 {add = true} : memref<8x128xf32, #tpu.memory_space<vmem>>[vector<16xi32>, vector<16xi32>], vector<16xf32>,
    %get3A_602 = arith.constant 2 : i32
    %get3A_603 = arith.index_cast %get3A_602 : i32 to index
    %get3A_604 = arith.constant 96 : index
    %get3A_605 = tpu.vector_load %arg4[%get3A_603, %get3A_604] {strides = array<i32>} : memref<16x128xi32, #tpu.memory_space<vmem>>, vector<16xi32>,
    %shift_right_logical3A_606 = arith.constant 7 : i32
    %shift_right_logical3A_607 = vector.broadcast %shift_right_logical3A_606 : i32 to vector<16xi32>
    %shift_right_logical3A_608 = arith.shrui %get3A_605, %shift_right_logical3A_607 : vector<16xi32>
    %and3A_609 = arith.constant 127 : i32
    %and3A_610 = vector.broadcast %and3A_609 : i32 to vector<16xi32>
    %and3A_611 = arith.andi %get3A_605, %and3A_610 : vector<16xi32>
    tpu.vector_store_idx %arg5[%shift_right_logical3A_608, %and3A_611], %broadcast_in_dim3A_384 {add = true} : memref<8x128xf32, #tpu.memory_space<vmem>>[vector<16xi32>, vector<16xi32>], vector<16xf32>,
    %get3A_612 = arith.constant 2 : i32
    %get3A_613 = arith.index_cast %get3A_612 : i32 to index
    %get3A_614 = arith.constant 112 : index
    %get3A_615 = tpu.vector_load %arg4[%get3A_613, %get3A_614] {strides = array<i32>} : memref<16x128xi32, #tpu.memory_space<vmem>>, vector<16xi32>,
    %shift_right_logical3A_616 = arith.constant 7 : i32
    %shift_right_logical3A_617 = vector.broadcast %shift_right_logical3A_616 : i32 to vector<16xi32>
    %shift_right_logical3A_618 = arith.shrui %get3A_615, %shift_right_logical3A_617 : vector<16xi32>
    %and3A_619 = arith.constant 127 : i32
    %and3A_620 = vector.broadcast %and3A_619 : i32 to vector<16xi32>
    %and3A_621 = arith.andi %get3A_615, %and3A_620 : vector<16xi32>
    tpu.vector_store_idx %arg5[%shift_right_logical3A_618, %and3A_621], %broadcast_in_dim3A_384 {add = true} : memref<8x128xf32, #tpu.memory_space<vmem>>[vector<16xi32>, vector<16xi32>], vector<16xf32>,
    %get3A_622 = arith.constant 3 : i32
    %get3A_623 = arith.index_cast %get3A_622 : i32 to index
    %get3A_624 = arith.constant 0 : index
    %get3A_625 = tpu.vector_load %arg4[%get3A_623, %get3A_624] {strides = array<i32>} : memref<16x128xi32, #tpu.memory_space<vmem>>, vector<16xi32>,
    %shift_right_logical3A_626 = arith.constant 7 : i32
    %shift_right_logical3A_627 = vector.broadcast %shift_right_logical3A_626 : i32 to vector<16xi32>
    %shift_right_logical3A_628 = arith.shrui %get3A_625, %shift_right_logical3A_627 : vector<16xi32>
    %and3A_629 = arith.constant 127 : i32
    %and3A_630 = vector.broadcast %and3A_629 : i32 to vector<16xi32>
    %and3A_631 = arith.andi %get3A_625, %and3A_630 : vector<16xi32>
    tpu.vector_store_idx %arg5[%shift_right_logical3A_628, %and3A_631], %broadcast_in_dim3A_384 {add = true} : memref<8x128xf32, #tpu.memory_space<vmem>>[vector<16xi32>, vector<16xi32>], vector<16xf32>,
    %get3A_632 = arith.constant 3 : i32
    %get3A_633 = arith.index_cast %get3A_632 : i32 to index
    %get3A_634 = arith.constant 16 : index
    %get3A_635 = tpu.vector_load %arg4[%get3A_633, %get3A_634] {strides = array<i32>} : memref<16x128xi32, #tpu.memory_space<vmem>>, vector<16xi32>,
    %shift_right_logical3A_636 = arith.constant 7 : i32
    %shift_right_logical3A_637 = vector.broadcast %shift_right_logical3A_636 : i32 to vector<16xi32>
    %shift_right_logical3A_638 = arith.shrui %get3A_635, %shift_right_logical3A_637 : vector<16xi32>
    %and3A_639 = arith.constant 127 : i32
    %and3A_640 = vector.broadcast %and3A_639 : i32 to vector<16xi32>
    %and3A_641 = arith.andi %get3A_635, %and3A_640 : vector<16xi32>
    tpu.vector_store_idx %arg5[%shift_right_logical3A_638, %and3A_641], %broadcast_in_dim3A_384 {add = true} : memref<8x128xf32, #tpu.memory_space<vmem>>[vector<16xi32>, vector<16xi32>], vector<16xf32>,
    %get3A_642 = arith.constant 3 : i32
    %get3A_643 = arith.index_cast %get3A_642 : i32 to index
    %get3A_644 = arith.constant 32 : index
    %get3A_645 = tpu.vector_load %arg4[%get3A_643, %get3A_644] {strides = array<i32>} : memref<16x128xi32, #tpu.memory_space<vmem>>, vector<16xi32>,
    %shift_right_logical3A_646 = arith.constant 7 : i32
    %shift_right_logical3A_647 = vector.broadcast %shift_right_logical3A_646 : i32 to vector<16xi32>
    %shift_right_logical3A_648 = arith.shrui %get3A_645, %shift_right_logical3A_647 : vector<16xi32>
    %and3A_649 = arith.constant 127 : i32
    %and3A_650 = vector.broadcast %and3A_649 : i32 to vector<16xi32>
    %and3A_651 = arith.andi %get3A_645, %and3A_650 : vector<16xi32>
    tpu.vector_store_idx %arg5[%shift_right_logical3A_648, %and3A_651], %broadcast_in_dim3A_384 {add = true} : memref<8x128xf32, #tpu.memory_space<vmem>>[vector<16xi32>, vector<16xi32>], vector<16xf32>,
    %get3A_652 = arith.constant 3 : i32
    %get3A_653 = arith.index_cast %get3A_652 : i32 to index
    %get3A_654 = arith.constant 48 : index
    %get3A_655 = tpu.vector_load %arg4[%get3A_653, %get3A_654] {strides = array<i32>} : memref<16x128xi32, #tpu.memory_space<vmem>>, vector<16xi32>,
    %shift_right_logical3A_656 = arith.constant 7 : i32
    %shift_right_logical3A_657 = vector.broadcast %shift_right_logical3A_656 : i32 to vector<16xi32>
    %shift_right_logical3A_658 = arith.shrui %get3A_655, %shift_right_logical3A_657 : vector<16xi32>
    %and3A_659 = arith.constant 127 : i32
    %and3A_660 = vector.broadcast %and3A_659 : i32 to vector<16xi32>
    %and3A_661 = arith.andi %get3A_655, %and3A_660 : vector<16xi32>
    tpu.vector_store_idx %arg5[%shift_right_logical3A_658, %and3A_661], %broadcast_in_dim3A_384 {add = true} : memref<8x128xf32, #tpu.memory_space<vmem>>[vector<16xi32>, vector<16xi32>], vector<16xf32>,
    %get3A_662 = arith.constant 3 : i32
    %get3A_663 = arith.index_cast %get3A_662 : i32 to index
    %get3A_664 = arith.constant 64 : index
    %get3A_665 = tpu.vector_load %arg4[%get3A_663, %get3A_664] {strides = array<i32>} : memref<16x128xi32, #tpu.memory_space<vmem>>, vector<16xi32>,
    %shift_right_logical3A_666 = arith.constant 7 : i32
    %shift_right_logical3A_667 = vector.broadcast %shift_right_logical3A_666 : i32 to vector<16xi32>
    %shift_right_logical3A_668 = arith.shrui %get3A_665, %shift_right_logical3A_667 : vector<16xi32>
    %and3A_669 = arith.constant 127 : i32
    %and3A_670 = vector.broadcast %and3A_669 : i32 to vector<16xi32>
    %and3A_671 = arith.andi %get3A_665, %and3A_670 : vector<16xi32>
    tpu.vector_store_idx %arg5[%shift_right_logical3A_668, %and3A_671], %broadcast_in_dim3A_384 {add = true} : memref<8x128xf32, #tpu.memory_space<vmem>>[vector<16xi32>, vector<16xi32>], vector<16xf32>,
    %get3A_672 = arith.constant 3 : i32
    %get3A_673 = arith.index_cast %get3A_672 : i32 to index
    %get3A_674 = arith.constant 80 : index
    %get3A_675 = tpu.vector_load %arg4[%get3A_673, %get3A_674] {strides = array<i32>} : memref<16x128xi32, #tpu.memory_space<vmem>>, vector<16xi32>,
    %shift_right_logical3A_676 = arith.constant 7 : i32
    %shift_right_logical3A_677 = vector.broadcast %shift_right_logical3A_676 : i32 to vector<16xi32>
    %shift_right_logical3A_678 = arith.shrui %get3A_675, %shift_right_logical3A_677 : vector<16xi32>
    %and3A_679 = arith.constant 127 : i32
    %and3A_680 = vector.broadcast %and3A_679 : i32 to vector<16xi32>
    %and3A_681 = arith.andi %get3A_675, %and3A_680 : vector<16xi32>
    tpu.vector_store_idx %arg5[%shift_right_logical3A_678, %and3A_681], %broadcast_in_dim3A_384 {add = true} : memref<8x128xf32, #tpu.memory_space<vmem>>[vector<16xi32>, vector<16xi32>], vector<16xf32>,
    %get3A_682 = arith.constant 3 : i32
    %get3A_683 = arith.index_cast %get3A_682 : i32 to index
    %get3A_684 = arith.constant 96 : index
    %get3A_685 = tpu.vector_load %arg4[%get3A_683, %get3A_684] {strides = array<i32>} : memref<16x128xi32, #tpu.memory_space<vmem>>, vector<16xi32>,
    %shift_right_logical3A_686 = arith.constant 7 : i32
    %shift_right_logical3A_687 = vector.broadcast %shift_right_logical3A_686 : i32 to vector<16xi32>
    %shift_right_logical3A_688 = arith.shrui %get3A_685, %shift_right_logical3A_687 : vector<16xi32>
    %and3A_689 = arith.constant 127 : i32
    %and3A_690 = vector.broadcast %and3A_689 : i32 to vector<16xi32>
    %and3A_691 = arith.andi %get3A_685, %and3A_690 : vector<16xi32>
    tpu.vector_store_idx %arg5[%shift_right_logical3A_688, %and3A_691], %broadcast_in_dim3A_384 {add = true} : memref<8x128xf32, #tpu.memory_space<vmem>>[vector<16xi32>, vector<16xi32>], vector<16xf32>,
    %get3A_692 = arith.constant 3 : i32
    %get3A_693 = arith.index_cast %get3A_692 : i32 to index
    %get3A_694 = arith.constant 112 : index
    %get3A_695 = tpu.vector_load %arg4[%get3A_693, %get3A_694] {strides = array<i32>} : memref<16x128xi32, #tpu.memory_space<vmem>>, vector<16xi32>,
    %shift_right_logical3A_696 = arith.constant 7 : i32
    %shift_right_logical3A_697 = vector.broadcast %shift_right_logical3A_696 : i32 to vector<16xi32>
    %shift_right_logical3A_698 = arith.shrui %get3A_695, %shift_right_logical3A_697 : vector<16xi32>
    %and3A_699 = arith.constant 127 : i32
    %and3A_700 = vector.broadcast %and3A_699 : i32 to vector<16xi32>
    %and3A_701 = arith.andi %get3A_695, %and3A_700 : vector<16xi32>
    tpu.vector_store_idx %arg5[%shift_right_logical3A_698, %and3A_701], %broadcast_in_dim3A_384 {add = true} : memref<8x128xf32, #tpu.memory_space<vmem>>[vector<16xi32>, vector<16xi32>], vector<16xf32>,
    %get3A_702 = arith.constant 4 : i32
    %get3A_703 = arith.index_cast %get3A_702 : i32 to index
    %get3A_704 = arith.constant 0 : index
    %get3A_705 = tpu.vector_load %arg4[%get3A_703, %get3A_704] {strides = array<i32>} : memref<16x128xi32, #tpu.memory_space<vmem>>, vector<16xi32>,
    %shift_right_logical3A_706 = arith.constant 7 : i32
    %shift_right_logical3A_707 = vector.broadcast %shift_right_logical3A_706 : i32 to vector<16xi32>
    %shift_right_logical3A_708 = arith.shrui %get3A_705, %shift_right_logical3A_707 : vector<16xi32>
    %and3A_709 = arith.constant 127 : i32
    %and3A_710 = vector.broadcast %and3A_709 : i32 to vector<16xi32>
    %and3A_711 = arith.andi %get3A_705, %and3A_710 : vector<16xi32>
    tpu.vector_store_idx %arg5[%shift_right_logical3A_708, %and3A_711], %broadcast_in_dim3A_384 {add = true} : memref<8x128xf32, #tpu.memory_space<vmem>>[vector<16xi32>, vector<16xi32>], vector<16xf32>,
    %get3A_712 = arith.constant 4 : i32
    %get3A_713 = arith.index_cast %get3A_712 : i32 to index
    %get3A_714 = arith.constant 16 : index
    %get3A_715 = tpu.vector_load %arg4[%get3A_713, %get3A_714] {strides = array<i32>} : memref<16x128xi32, #tpu.memory_space<vmem>>, vector<16xi32>,
    %shift_right_logical3A_716 = arith.constant 7 : i32
    %shift_right_logical3A_717 = vector.broadcast %shift_right_logical3A_716 : i32 to vector<16xi32>
    %shift_right_logical3A_718 = arith.shrui %get3A_715, %shift_right_logical3A_717 : vector<16xi32>
    %and3A_719 = arith.constant 127 : i32
    %and3A_720 = vector.broadcast %and3A_719 : i32 to vector<16xi32>
    %and3A_721 = arith.andi %get3A_715, %and3A_720 : vector<16xi32>
    tpu.vector_store_idx %arg5[%shift_right_logical3A_718, %and3A_721], %broadcast_in_dim3A_384 {add = true} : memref<8x128xf32, #tpu.memory_space<vmem>>[vector<16xi32>, vector<16xi32>], vector<16xf32>,
    %get3A_722 = arith.constant 4 : i32
    %get3A_723 = arith.index_cast %get3A_722 : i32 to index
    %get3A_724 = arith.constant 32 : index
    %get3A_725 = tpu.vector_load %arg4[%get3A_723, %get3A_724] {strides = array<i32>} : memref<16x128xi32, #tpu.memory_space<vmem>>, vector<16xi32>,
    %shift_right_logical3A_726 = arith.constant 7 : i32
    %shift_right_logical3A_727 = vector.broadcast %shift_right_logical3A_726 : i32 to vector<16xi32>
    %shift_right_logical3A_728 = arith.shrui %get3A_725, %shift_right_logical3A_727 : vector<16xi32>
    %and3A_729 = arith.constant 127 : i32
    %and3A_730 = vector.broadcast %and3A_729 : i32 to vector<16xi32>
    %and3A_731 = arith.andi %get3A_725, %and3A_730 : vector<16xi32>
    tpu.vector_store_idx %arg5[%shift_right_logical3A_728, %and3A_731], %broadcast_in_dim3A_384 {add = true} : memref<8x128xf32, #tpu.memory_space<vmem>>[vector<16xi32>, vector<16xi32>], vector<16xf32>,
    %get3A_732 = arith.constant 4 : i32
    %get3A_733 = arith.index_cast %get3A_732 : i32 to index
    %get3A_734 = arith.constant 48 : index
    %get3A_735 = tpu.vector_load %arg4[%get3A_733, %get3A_734] {strides = array<i32>} : memref<16x128xi32, #tpu.memory_space<vmem>>, vector<16xi32>,
    %shift_right_logical3A_736 = arith.constant 7 : i32
    %shift_right_logical3A_737 = vector.broadcast %shift_right_logical3A_736 : i32 to vector<16xi32>
    %shift_right_logical3A_738 = arith.shrui %get3A_735, %shift_right_logical3A_737 : vector<16xi32>
    %and3A_739 = arith.constant 127 : i32
    %and3A_740 = vector.broadcast %and3A_739 : i32 to vector<16xi32>
    %and3A_741 = arith.andi %get3A_735, %and3A_740 : vector<16xi32>
    tpu.vector_store_idx %arg5[%shift_right_logical3A_738, %and3A_741], %broadcast_in_dim3A_384 {add = true} : memref<8x128xf32, #tpu.memory_space<vmem>>[vector<16xi32>, vector<16xi32>], vector<16xf32>,
    %get3A_742 = arith.constant 4 : i32
    %get3A_743 = arith.index_cast %get3A_742 : i32 to index
    %get3A_744 = arith.constant 64 : index
    %get3A_745 = tpu.vector_load %arg4[%get3A_743, %get3A_744] {strides = array<i32>} : memref<16x128xi32, #tpu.memory_space<vmem>>, vector<16xi32>,
    %shift_right_logical3A_746 = arith.constant 7 : i32
    %shift_right_logical3A_747 = vector.broadcast %shift_right_logical3A_746 : i32 to vector<16xi32>
    %shift_right_logical3A_748 = arith.shrui %get3A_745, %shift_right_logical3A_747 : vector<16xi32>
    %and3A_749 = arith.constant 127 : i32
    %and3A_750 = vector.broadcast %and3A_749 : i32 to vector<16xi32>
    %and3A_751 = arith.andi %get3A_745, %and3A_750 : vector<16xi32>
    tpu.vector_store_idx %arg5[%shift_right_logical3A_748, %and3A_751], %broadcast_in_dim3A_384 {add = true} : memref<8x128xf32, #tpu.memory_space<vmem>>[vector<16xi32>, vector<16xi32>], vector<16xf32>,
    %get3A_752 = arith.constant 4 : i32
    %get3A_753 = arith.index_cast %get3A_752 : i32 to index
    %get3A_754 = arith.constant 80 : index
    %get3A_755 = tpu.vector_load %arg4[%get3A_753, %get3A_754] {strides = array<i32>} : memref<16x128xi32, #tpu.memory_space<vmem>>, vector<16xi32>,
    %shift_right_logical3A_756 = arith.constant 7 : i32
    %shift_right_logical3A_757 = vector.broadcast %shift_right_logical3A_756 : i32 to vector<16xi32>
    %shift_right_logical3A_758 = arith.shrui %get3A_755, %shift_right_logical3A_757 : vector<16xi32>
    %and3A_759 = arith.constant 127 : i32
    %and3A_760 = vector.broadcast %and3A_759 : i32 to vector<16xi32>
    %and3A_761 = arith.andi %get3A_755, %and3A_760 : vector<16xi32>
    tpu.vector_store_idx %arg5[%shift_right_logical3A_758, %and3A_761], %broadcast_in_dim3A_384 {add = true} : memref<8x128xf32, #tpu.memory_space<vmem>>[vector<16xi32>, vector<16xi32>], vector<16xf32>,
    %get3A_762 = arith.constant 4 : i32
    %get3A_763 = arith.index_cast %get3A_762 : i32 to index
    %get3A_764 = arith.constant 96 : index
    %get3A_765 = tpu.vector_load %arg4[%get3A_763, %get3A_764] {strides = array<i32>} : memref<16x128xi32, #tpu.memory_space<vmem>>, vector<16xi32>,
    %shift_right_logical3A_766 = arith.constant 7 : i32
    %shift_right_logical3A_767 = vector.broadcast %shift_right_logical3A_766 : i32 to vector<16xi32>
    %shift_right_logical3A_768 = arith.shrui %get3A_765, %shift_right_logical3A_767 : vector<16xi32>
    %and3A_769 = arith.constant 127 : i32
    %and3A_770 = vector.broadcast %and3A_769 : i32 to vector<16xi32>
    %and3A_771 = arith.andi %get3A_765, %and3A_770 : vector<16xi32>
    tpu.vector_store_idx %arg5[%shift_right_logical3A_768, %and3A_771], %broadcast_in_dim3A_384 {add = true} : memref<8x128xf32, #tpu.memory_space<vmem>>[vector<16xi32>, vector<16xi32>], vector<16xf32>,
    %get3A_772 = arith.constant 4 : i32
    %get3A_773 = arith.index_cast %get3A_772 : i32 to index
    %get3A_774 = arith.constant 112 : index
    %get3A_775 = tpu.vector_load %arg4[%get3A_773, %get3A_774] {strides = array<i32>} : memref<16x128xi32, #tpu.memory_space<vmem>>, vector<16xi32>,
    %shift_right_logical3A_776 = arith.constant 7 : i32
    %shift_right_logical3A_777 = vector.broadcast %shift_right_logical3A_776 : i32 to vector<16xi32>
    %shift_right_logical3A_778 = arith.shrui %get3A_775, %shift_right_logical3A_777 : vector<16xi32>
    %and3A_779 = arith.constant 127 : i32
    %and3A_780 = vector.broadcast %and3A_779 : i32 to vector<16xi32>
    %and3A_781 = arith.andi %get3A_775, %and3A_780 : vector<16xi32>
    tpu.vector_store_idx %arg5[%shift_right_logical3A_778, %and3A_781], %broadcast_in_dim3A_384 {add = true} : memref<8x128xf32, #tpu.memory_space<vmem>>[vector<16xi32>, vector<16xi32>], vector<16xf32>,
    %get3A_782 = arith.constant 5 : i32
    %get3A_783 = arith.index_cast %get3A_782 : i32 to index
    %get3A_784 = arith.constant 0 : index
    %get3A_785 = tpu.vector_load %arg4[%get3A_783, %get3A_784] {strides = array<i32>} : memref<16x128xi32, #tpu.memory_space<vmem>>, vector<16xi32>,
    %shift_right_logical3A_786 = arith.constant 7 : i32
    %shift_right_logical3A_787 = vector.broadcast %shift_right_logical3A_786 : i32 to vector<16xi32>
    %shift_right_logical3A_788 = arith.shrui %get3A_785, %shift_right_logical3A_787 : vector<16xi32>
    %and3A_789 = arith.constant 127 : i32
    %and3A_790 = vector.broadcast %and3A_789 : i32 to vector<16xi32>
    %and3A_791 = arith.andi %get3A_785, %and3A_790 : vector<16xi32>
    tpu.vector_store_idx %arg5[%shift_right_logical3A_788, %and3A_791], %broadcast_in_dim3A_384 {add = true} : memref<8x128xf32, #tpu.memory_space<vmem>>[vector<16xi32>, vector<16xi32>], vector<16xf32>,
    %get3A_792 = arith.constant 5 : i32
    %get3A_793 = arith.index_cast %get3A_792 : i32 to index
    %get3A_794 = arith.constant 16 : index
    %get3A_795 = tpu.vector_load %arg4[%get3A_793, %get3A_794] {strides = array<i32>} : memref<16x128xi32, #tpu.memory_space<vmem>>, vector<16xi32>,
    %shift_right_logical3A_796 = arith.constant 7 : i32
    %shift_right_logical3A_797 = vector.broadcast %shift_right_logical3A_796 : i32 to vector<16xi32>
    %shift_right_logical3A_798 = arith.shrui %get3A_795, %shift_right_logical3A_797 : vector<16xi32>
    %and3A_799 = arith.constant 127 : i32
    %and3A_800 = vector.broadcast %and3A_799 : i32 to vector<16xi32>
    %and3A_801 = arith.andi %get3A_795, %and3A_800 : vector<16xi32>
    tpu.vector_store_idx %arg5[%shift_right_logical3A_798, %and3A_801], %broadcast_in_dim3A_384 {add = true} : memref<8x128xf32, #tpu.memory_space<vmem>>[vector<16xi32>, vector<16xi32>], vector<16xf32>,
    %get3A_802 = arith.constant 5 : i32
    %get3A_803 = arith.index_cast %get3A_802 : i32 to index
    %get3A_804 = arith.constant 32 : index
    %get3A_805 = tpu.vector_load %arg4[%get3A_803, %get3A_804] {strides = array<i32>} : memref<16x128xi32, #tpu.memory_space<vmem>>, vector<16xi32>,
    %shift_right_logical3A_806 = arith.constant 7 : i32
    %shift_right_logical3A_807 = vector.broadcast %shift_right_logical3A_806 : i32 to vector<16xi32>
    %shift_right_logical3A_808 = arith.shrui %get3A_805, %shift_right_logical3A_807 : vector<16xi32>
    %and3A_809 = arith.constant 127 : i32
    %and3A_810 = vector.broadcast %and3A_809 : i32 to vector<16xi32>
    %and3A_811 = arith.andi %get3A_805, %and3A_810 : vector<16xi32>
    tpu.vector_store_idx %arg5[%shift_right_logical3A_808, %and3A_811], %broadcast_in_dim3A_384 {add = true} : memref<8x128xf32, #tpu.memory_space<vmem>>[vector<16xi32>, vector<16xi32>], vector<16xf32>,
    %get3A_812 = arith.constant 5 : i32
    %get3A_813 = arith.index_cast %get3A_812 : i32 to index
    %get3A_814 = arith.constant 48 : index
    %get3A_815 = tpu.vector_load %arg4[%get3A_813, %get3A_814] {strides = array<i32>} : memref<16x128xi32, #tpu.memory_space<vmem>>, vector<16xi32>,
    %shift_right_logical3A_816 = arith.constant 7 : i32
    %shift_right_logical3A_817 = vector.broadcast %shift_right_logical3A_816 : i32 to vector<16xi32>
    %shift_right_logical3A_818 = arith.shrui %get3A_815, %shift_right_logical3A_817 : vector<16xi32>
    %and3A_819 = arith.constant 127 : i32
    %and3A_820 = vector.broadcast %and3A_819 : i32 to vector<16xi32>
    %and3A_821 = arith.andi %get3A_815, %and3A_820 : vector<16xi32>
    tpu.vector_store_idx %arg5[%shift_right_logical3A_818, %and3A_821], %broadcast_in_dim3A_384 {add = true} : memref<8x128xf32, #tpu.memory_space<vmem>>[vector<16xi32>, vector<16xi32>], vector<16xf32>,
    %get3A_822 = arith.constant 5 : i32
    %get3A_823 = arith.index_cast %get3A_822 : i32 to index
    %get3A_824 = arith.constant 64 : index
    %get3A_825 = tpu.vector_load %arg4[%get3A_823, %get3A_824] {strides = array<i32>} : memref<16x128xi32, #tpu.memory_space<vmem>>, vector<16xi32>,
    %shift_right_logical3A_826 = arith.constant 7 : i32
    %shift_right_logical3A_827 = vector.broadcast %shift_right_logical3A_826 : i32 to vector<16xi32>
    %shift_right_logical3A_828 = arith.shrui %get3A_825, %shift_right_logical3A_827 : vector<16xi32>
    %and3A_829 = arith.constant 127 : i32
    %and3A_830 = vector.broadcast %and3A_829 : i32 to vector<16xi32>
    %and3A_831 = arith.andi %get3A_825, %and3A_830 : vector<16xi32>
    tpu.vector_store_idx %arg5[%shift_right_logical3A_828, %and3A_831], %broadcast_in_dim3A_384 {add = true} : memref<8x128xf32, #tpu.memory_space<vmem>>[vector<16xi32>, vector<16xi32>], vector<16xf32>,
    %get3A_832 = arith.constant 5 : i32
    %get3A_833 = arith.index_cast %get3A_832 : i32 to index
    %get3A_834 = arith.constant 80 : index
    %get3A_835 = tpu.vector_load %arg4[%get3A_833, %get3A_834] {strides = array<i32>} : memref<16x128xi32, #tpu.memory_space<vmem>>, vector<16xi32>,
    %shift_right_logical3A_836 = arith.constant 7 : i32
    %shift_right_logical3A_837 = vector.broadcast %shift_right_logical3A_836 : i32 to vector<16xi32>
    %shift_right_logical3A_838 = arith.shrui %get3A_835, %shift_right_logical3A_837 : vector<16xi32>
    %and3A_839 = arith.constant 127 : i32
    %and3A_840 = vector.broadcast %and3A_839 : i32 to vector<16xi32>
    %and3A_841 = arith.andi %get3A_835, %and3A_840 : vector<16xi32>
    tpu.vector_store_idx %arg5[%shift_right_logical3A_838, %and3A_841], %broadcast_in_dim3A_384 {add = true} : memref<8x128xf32, #tpu.memory_space<vmem>>[vector<16xi32>, vector<16xi32>], vector<16xf32>,
    %get3A_842 = arith.constant 5 : i32
    %get3A_843 = arith.index_cast %get3A_842 : i32 to index
    %get3A_844 = arith.constant 96 : index
    %get3A_845 = tpu.vector_load %arg4[%get3A_843, %get3A_844] {strides = array<i32>} : memref<16x128xi32, #tpu.memory_space<vmem>>, vector<16xi32>,
    %shift_right_logical3A_846 = arith.constant 7 : i32
    %shift_right_logical3A_847 = vector.broadcast %shift_right_logical3A_846 : i32 to vector<16xi32>
    %shift_right_logical3A_848 = arith.shrui %get3A_845, %shift_right_logical3A_847 : vector<16xi32>
    %and3A_849 = arith.constant 127 : i32
    %and3A_850 = vector.broadcast %and3A_849 : i32 to vector<16xi32>
    %and3A_851 = arith.andi %get3A_845, %and3A_850 : vector<16xi32>
    tpu.vector_store_idx %arg5[%shift_right_logical3A_848, %and3A_851], %broadcast_in_dim3A_384 {add = true} : memref<8x128xf32, #tpu.memory_space<vmem>>[vector<16xi32>, vector<16xi32>], vector<16xf32>,
    %get3A_852 = arith.constant 5 : i32
    %get3A_853 = arith.index_cast %get3A_852 : i32 to index
    %get3A_854 = arith.constant 112 : index
    %get3A_855 = tpu.vector_load %arg4[%get3A_853, %get3A_854] {strides = array<i32>} : memref<16x128xi32, #tpu.memory_space<vmem>>, vector<16xi32>,
    %shift_right_logical3A_856 = arith.constant 7 : i32
    %shift_right_logical3A_857 = vector.broadcast %shift_right_logical3A_856 : i32 to vector<16xi32>
    %shift_right_logical3A_858 = arith.shrui %get3A_855, %shift_right_logical3A_857 : vector<16xi32>
    %and3A_859 = arith.constant 127 : i32
    %and3A_860 = vector.broadcast %and3A_859 : i32 to vector<16xi32>
    %and3A_861 = arith.andi %get3A_855, %and3A_860 : vector<16xi32>
    tpu.vector_store_idx %arg5[%shift_right_logical3A_858, %and3A_861], %broadcast_in_dim3A_384 {add = true} : memref<8x128xf32, #tpu.memory_space<vmem>>[vector<16xi32>, vector<16xi32>], vector<16xf32>,
    %get3A_862 = arith.constant 6 : i32
    %get3A_863 = arith.index_cast %get3A_862 : i32 to index
    %get3A_864 = arith.constant 0 : index
    %get3A_865 = tpu.vector_load %arg4[%get3A_863, %get3A_864] {strides = array<i32>} : memref<16x128xi32, #tpu.memory_space<vmem>>, vector<16xi32>,
    %shift_right_logical3A_866 = arith.constant 7 : i32
    %shift_right_logical3A_867 = vector.broadcast %shift_right_logical3A_866 : i32 to vector<16xi32>
    %shift_right_logical3A_868 = arith.shrui %get3A_865, %shift_right_logical3A_867 : vector<16xi32>
    %and3A_869 = arith.constant 127 : i32
    %and3A_870 = vector.broadcast %and3A_869 : i32 to vector<16xi32>
    %and3A_871 = arith.andi %get3A_865, %and3A_870 : vector<16xi32>
    tpu.vector_store_idx %arg5[%shift_right_logical3A_868, %and3A_871], %broadcast_in_dim3A_384 {add = true} : memref<8x128xf32, #tpu.memory_space<vmem>>[vector<16xi32>, vector<16xi32>], vector<16xf32>,
    %get3A_872 = arith.constant 6 : i32
    %get3A_873 = arith.index_cast %get3A_872 : i32 to index
    %get3A_874 = arith.constant 16 : index
    %get3A_875 = tpu.vector_load %arg4[%get3A_873, %get3A_874] {strides = array<i32>} : memref<16x128xi32, #tpu.memory_space<vmem>>, vector<16xi32>,
    %shift_right_logical3A_876 = arith.constant 7 : i32
    %shift_right_logical3A_877 = vector.broadcast %shift_right_logical3A_876 : i32 to vector<16xi32>
    %shift_right_logical3A_878 = arith.shrui %get3A_875, %shift_right_logical3A_877 : vector<16xi32>
    %and3A_879 = arith.constant 127 : i32
    %and3A_880 = vector.broadcast %and3A_879 : i32 to vector<16xi32>
    %and3A_881 = arith.andi %get3A_875, %and3A_880 : vector<16xi32>
    tpu.vector_store_idx %arg5[%shift_right_logical3A_878, %and3A_881], %broadcast_in_dim3A_384 {add = true} : memref<8x128xf32, #tpu.memory_space<vmem>>[vector<16xi32>, vector<16xi32>], vector<16xf32>,
    %get3A_882 = arith.constant 6 : i32
    %get3A_883 = arith.index_cast %get3A_882 : i32 to index
    %get3A_884 = arith.constant 32 : index
    %get3A_885 = tpu.vector_load %arg4[%get3A_883, %get3A_884] {strides = array<i32>} : memref<16x128xi32, #tpu.memory_space<vmem>>, vector<16xi32>,
    %shift_right_logical3A_886 = arith.constant 7 : i32
    %shift_right_logical3A_887 = vector.broadcast %shift_right_logical3A_886 : i32 to vector<16xi32>
    %shift_right_logical3A_888 = arith.shrui %get3A_885, %shift_right_logical3A_887 : vector<16xi32>
    %and3A_889 = arith.constant 127 : i32
    %and3A_890 = vector.broadcast %and3A_889 : i32 to vector<16xi32>
    %and3A_891 = arith.andi %get3A_885, %and3A_890 : vector<16xi32>
    tpu.vector_store_idx %arg5[%shift_right_logical3A_888, %and3A_891], %broadcast_in_dim3A_384 {add = true} : memref<8x128xf32, #tpu.memory_space<vmem>>[vector<16xi32>, vector<16xi32>], vector<16xf32>,
    %get3A_892 = arith.constant 6 : i32
    %get3A_893 = arith.index_cast %get3A_892 : i32 to index
    %get3A_894 = arith.constant 48 : index
    %get3A_895 = tpu.vector_load %arg4[%get3A_893, %get3A_894] {strides = array<i32>} : memref<16x128xi32, #tpu.memory_space<vmem>>, vector<16xi32>,
    %shift_right_logical3A_896 = arith.constant 7 : i32
    %shift_right_logical3A_897 = vector.broadcast %shift_right_logical3A_896 : i32 to vector<16xi32>
    %shift_right_logical3A_898 = arith.shrui %get3A_895, %shift_right_logical3A_897 : vector<16xi32>
    %and3A_899 = arith.constant 127 : i32
    %and3A_900 = vector.broadcast %and3A_899 : i32 to vector<16xi32>
    %and3A_901 = arith.andi %get3A_895, %and3A_900 : vector<16xi32>
    tpu.vector_store_idx %arg5[%shift_right_logical3A_898, %and3A_901], %broadcast_in_dim3A_384 {add = true} : memref<8x128xf32, #tpu.memory_space<vmem>>[vector<16xi32>, vector<16xi32>], vector<16xf32>,
    %get3A_902 = arith.constant 6 : i32
    %get3A_903 = arith.index_cast %get3A_902 : i32 to index
    %get3A_904 = arith.constant 64 : index
    %get3A_905 = tpu.vector_load %arg4[%get3A_903, %get3A_904] {strides = array<i32>} : memref<16x128xi32, #tpu.memory_space<vmem>>, vector<16xi32>,
    %shift_right_logical3A_906 = arith.constant 7 : i32
    %shift_right_logical3A_907 = vector.broadcast %shift_right_logical3A_906 : i32 to vector<16xi32>
    %shift_right_logical3A_908 = arith.shrui %get3A_905, %shift_right_logical3A_907 : vector<16xi32>
    %and3A_909 = arith.constant 127 : i32
    %and3A_910 = vector.broadcast %and3A_909 : i32 to vector<16xi32>
    %and3A_911 = arith.andi %get3A_905, %and3A_910 : vector<16xi32>
    tpu.vector_store_idx %arg5[%shift_right_logical3A_908, %and3A_911], %broadcast_in_dim3A_384 {add = true} : memref<8x128xf32, #tpu.memory_space<vmem>>[vector<16xi32>, vector<16xi32>], vector<16xf32>,
    %get3A_912 = arith.constant 6 : i32
    %get3A_913 = arith.index_cast %get3A_912 : i32 to index
    %get3A_914 = arith.constant 80 : index
    %get3A_915 = tpu.vector_load %arg4[%get3A_913, %get3A_914] {strides = array<i32>} : memref<16x128xi32, #tpu.memory_space<vmem>>, vector<16xi32>,
    %shift_right_logical3A_916 = arith.constant 7 : i32
    %shift_right_logical3A_917 = vector.broadcast %shift_right_logical3A_916 : i32 to vector<16xi32>
    %shift_right_logical3A_918 = arith.shrui %get3A_915, %shift_right_logical3A_917 : vector<16xi32>
    %and3A_919 = arith.constant 127 : i32
    %and3A_920 = vector.broadcast %and3A_919 : i32 to vector<16xi32>
    %and3A_921 = arith.andi %get3A_915, %and3A_920 : vector<16xi32>
    tpu.vector_store_idx %arg5[%shift_right_logical3A_918, %and3A_921], %broadcast_in_dim3A_384 {add = true} : memref<8x128xf32, #tpu.memory_space<vmem>>[vector<16xi32>, vector<16xi32>], vector<16xf32>,
    %get3A_922 = arith.constant 6 : i32
    %get3A_923 = arith.index_cast %get3A_922 : i32 to index
    %get3A_924 = arith.constant 96 : index
    %get3A_925 = tpu.vector_load %arg4[%get3A_923, %get3A_924] {strides = array<i32>} : memref<16x128xi32, #tpu.memory_space<vmem>>, vector<16xi32>,
    %shift_right_logical3A_926 = arith.constant 7 : i32
    %shift_right_logical3A_927 = vector.broadcast %shift_right_logical3A_926 : i32 to vector<16xi32>
    %shift_right_logical3A_928 = arith.shrui %get3A_925, %shift_right_logical3A_927 : vector<16xi32>
    %and3A_929 = arith.constant 127 : i32
    %and3A_930 = vector.broadcast %and3A_929 : i32 to vector<16xi32>
    %and3A_931 = arith.andi %get3A_925, %and3A_930 : vector<16xi32>
    tpu.vector_store_idx %arg5[%shift_right_logical3A_928, %and3A_931], %broadcast_in_dim3A_384 {add = true} : memref<8x128xf32, #tpu.memory_space<vmem>>[vector<16xi32>, vector<16xi32>], vector<16xf32>,
    %get3A_932 = arith.constant 6 : i32
    %get3A_933 = arith.index_cast %get3A_932 : i32 to index
    %get3A_934 = arith.constant 112 : index
    %get3A_935 = tpu.vector_load %arg4[%get3A_933, %get3A_934] {strides = array<i32>} : memref<16x128xi32, #tpu.memory_space<vmem>>, vector<16xi32>,
    %shift_right_logical3A_936 = arith.constant 7 : i32
    %shift_right_logical3A_937 = vector.broadcast %shift_right_logical3A_936 : i32 to vector<16xi32>
    %shift_right_logical3A_938 = arith.shrui %get3A_935, %shift_right_logical3A_937 : vector<16xi32>
    %and3A_939 = arith.constant 127 : i32
    %and3A_940 = vector.broadcast %and3A_939 : i32 to vector<16xi32>
    %and3A_941 = arith.andi %get3A_935, %and3A_940 : vector<16xi32>
    tpu.vector_store_idx %arg5[%shift_right_logical3A_938, %and3A_941], %broadcast_in_dim3A_384 {add = true} : memref<8x128xf32, #tpu.memory_space<vmem>>[vector<16xi32>, vector<16xi32>], vector<16xf32>,
    %get3A_942 = arith.constant 7 : i32
    %get3A_943 = arith.index_cast %get3A_942 : i32 to index
    %get3A_944 = arith.constant 0 : index
    %get3A_945 = tpu.vector_load %arg4[%get3A_943, %get3A_944] {strides = array<i32>} : memref<16x128xi32, #tpu.memory_space<vmem>>, vector<16xi32>,
    %shift_right_logical3A_946 = arith.constant 7 : i32
    %shift_right_logical3A_947 = vector.broadcast %shift_right_logical3A_946 : i32 to vector<16xi32>
    %shift_right_logical3A_948 = arith.shrui %get3A_945, %shift_right_logical3A_947 : vector<16xi32>
    %and3A_949 = arith.constant 127 : i32
    %and3A_950 = vector.broadcast %and3A_949 : i32 to vector<16xi32>
    %and3A_951 = arith.andi %get3A_945, %and3A_950 : vector<16xi32>
    tpu.vector_store_idx %arg5[%shift_right_logical3A_948, %and3A_951], %broadcast_in_dim3A_384 {add = true} : memref<8x128xf32, #tpu.memory_space<vmem>>[vector<16xi32>, vector<16xi32>], vector<16xf32>,
    %get3A_952 = arith.constant 7 : i32
    %get3A_953 = arith.index_cast %get3A_952 : i32 to index
    %get3A_954 = arith.constant 16 : index
    %get3A_955 = tpu.vector_load %arg4[%get3A_953, %get3A_954] {strides = array<i32>} : memref<16x128xi32, #tpu.memory_space<vmem>>, vector<16xi32>,
    %shift_right_logical3A_956 = arith.constant 7 : i32
    %shift_right_logical3A_957 = vector.broadcast %shift_right_logical3A_956 : i32 to vector<16xi32>
    %shift_right_logical3A_958 = arith.shrui %get3A_955, %shift_right_logical3A_957 : vector<16xi32>
    %and3A_959 = arith.constant 127 : i32
    %and3A_960 = vector.broadcast %and3A_959 : i32 to vector<16xi32>
    %and3A_961 = arith.andi %get3A_955, %and3A_960 : vector<16xi32>
    tpu.vector_store_idx %arg5[%shift_right_logical3A_958, %and3A_961], %broadcast_in_dim3A_384 {add = true} : memref<8x128xf32, #tpu.memory_space<vmem>>[vector<16xi32>, vector<16xi32>], vector<16xf32>,
    %get3A_962 = arith.constant 7 : i32
    %get3A_963 = arith.index_cast %get3A_962 : i32 to index
    %get3A_964 = arith.constant 32 : index
    %get3A_965 = tpu.vector_load %arg4[%get3A_963, %get3A_964] {strides = array<i32>} : memref<16x128xi32, #tpu.memory_space<vmem>>, vector<16xi32>,
    %shift_right_logical3A_966 = arith.constant 7 : i32
    %shift_right_logical3A_967 = vector.broadcast %shift_right_logical3A_966 : i32 to vector<16xi32>
    %shift_right_logical3A_968 = arith.shrui %get3A_965, %shift_right_logical3A_967 : vector<16xi32>
    %and3A_969 = arith.constant 127 : i32
    %and3A_970 = vector.broadcast %and3A_969 : i32 to vector<16xi32>
    %and3A_971 = arith.andi %get3A_965, %and3A_970 : vector<16xi32>
    tpu.vector_store_idx %arg5[%shift_right_logical3A_968, %and3A_971], %broadcast_in_dim3A_384 {add = true} : memref<8x128xf32, #tpu.memory_space<vmem>>[vector<16xi32>, vector<16xi32>], vector<16xf32>,
    %get3A_972 = arith.constant 7 : i32
    %get3A_973 = arith.index_cast %get3A_972 : i32 to index
    %get3A_974 = arith.constant 48 : index
    %get3A_975 = tpu.vector_load %arg4[%get3A_973, %get3A_974] {strides = array<i32>} : memref<16x128xi32, #tpu.memory_space<vmem>>, vector<16xi32>,
    %shift_right_logical3A_976 = arith.constant 7 : i32
    %shift_right_logical3A_977 = vector.broadcast %shift_right_logical3A_976 : i32 to vector<16xi32>
    %shift_right_logical3A_978 = arith.shrui %get3A_975, %shift_right_logical3A_977 : vector<16xi32>
    %and3A_979 = arith.constant 127 : i32
    %and3A_980 = vector.broadcast %and3A_979 : i32 to vector<16xi32>
    %and3A_981 = arith.andi %get3A_975, %and3A_980 : vector<16xi32>
    tpu.vector_store_idx %arg5[%shift_right_logical3A_978, %and3A_981], %broadcast_in_dim3A_384 {add = true} : memref<8x128xf32, #tpu.memory_space<vmem>>[vector<16xi32>, vector<16xi32>], vector<16xf32>,
    %get3A_982 = arith.constant 7 : i32
    %get3A_983 = arith.index_cast %get3A_982 : i32 to index
    %get3A_984 = arith.constant 64 : index
    %get3A_985 = tpu.vector_load %arg4[%get3A_983, %get3A_984] {strides = array<i32>} : memref<16x128xi32, #tpu.memory_space<vmem>>, vector<16xi32>,
    %shift_right_logical3A_986 = arith.constant 7 : i32
    %shift_right_logical3A_987 = vector.broadcast %shift_right_logical3A_986 : i32 to vector<16xi32>
    %shift_right_logical3A_988 = arith.shrui %get3A_985, %shift_right_logical3A_987 : vector<16xi32>
    %and3A_989 = arith.constant 127 : i32
    %and3A_990 = vector.broadcast %and3A_989 : i32 to vector<16xi32>
    %and3A_991 = arith.andi %get3A_985, %and3A_990 : vector<16xi32>
    tpu.vector_store_idx %arg5[%shift_right_logical3A_988, %and3A_991], %broadcast_in_dim3A_384 {add = true} : memref<8x128xf32, #tpu.memory_space<vmem>>[vector<16xi32>, vector<16xi32>], vector<16xf32>,
    %get3A_992 = arith.constant 7 : i32
    %get3A_993 = arith.index_cast %get3A_992 : i32 to index
    %get3A_994 = arith.constant 80 : index
    %get3A_995 = tpu.vector_load %arg4[%get3A_993, %get3A_994] {strides = array<i32>} : memref<16x128xi32, #tpu.memory_space<vmem>>, vector<16xi32>,
    %shift_right_logical3A_996 = arith.constant 7 : i32
    %shift_right_logical3A_997 = vector.broadcast %shift_right_logical3A_996 : i32 to vector<16xi32>
    %shift_right_logical3A_998 = arith.shrui %get3A_995, %shift_right_logical3A_997 : vector<16xi32>
    %and3A_999 = arith.constant 127 : i32
    %and3A_1000 = vector.broadcast %and3A_999 : i32 to vector<16xi32>
    %and3A_1001 = arith.andi %get3A_995, %and3A_1000 : vector<16xi32>
    tpu.vector_store_idx %arg5[%shift_right_logical3A_998, %and3A_1001], %broadcast_in_dim3A_384 {add = true} : memref<8x128xf32, #tpu.memory_space<vmem>>[vector<16xi32>, vector<16xi32>], vector<16xf32>,
    %get3A_1002 = arith.constant 7 : i32
    %get3A_1003 = arith.index_cast %get3A_1002 : i32 to index
    %get3A_1004 = arith.constant 96 : index
    %get3A_1005 = tpu.vector_load %arg4[%get3A_1003, %get3A_1004] {strides = array<i32>} : memref<16x128xi32, #tpu.memory_space<vmem>>, vector<16xi32>,
    %shift_right_logical3A_1006 = arith.constant 7 : i32
    %shift_right_logical3A_1007 = vector.broadcast %shift_right_logical3A_1006 : i32 to vector<16xi32>
    %shift_right_logical3A_1008 = arith.shrui %get3A_1005, %shift_right_logical3A_1007 : vector<16xi32>
    %and3A_1009 = arith.constant 127 : i32
    %and3A_1010 = vector.broadcast %and3A_1009 : i32 to vector<16xi32>
    %and3A_1011 = arith.andi %get3A_1005, %and3A_1010 : vector<16xi32>
    tpu.vector_store_idx %arg5[%shift_right_logical3A_1008, %and3A_1011], %broadcast_in_dim3A_384 {add = true} : memref<8x128xf32, #tpu.memory_space<vmem>>[vector<16xi32>, vector<16xi32>], vector<16xf32>,
    %get3A_1012 = arith.constant 7 : i32
    %get3A_1013 = arith.index_cast %get3A_1012 : i32 to index
    %get3A_1014 = arith.constant 112 : index
    %get3A_1015 = tpu.vector_load %arg4[%get3A_1013, %get3A_1014] {strides = array<i32>} : memref<16x128xi32, #tpu.memory_space<vmem>>, vector<16xi32>,
    %shift_right_logical3A_1016 = arith.constant 7 : i32
    %shift_right_logical3A_1017 = vector.broadcast %shift_right_logical3A_1016 : i32 to vector<16xi32>
    %shift_right_logical3A_1018 = arith.shrui %get3A_1015, %shift_right_logical3A_1017 : vector<16xi32>
    %and3A_1019 = arith.constant 127 : i32
    %and3A_1020 = vector.broadcast %and3A_1019 : i32 to vector<16xi32>
    %and3A_1021 = arith.andi %get3A_1015, %and3A_1020 : vector<16xi32>
    tpu.vector_store_idx %arg5[%shift_right_logical3A_1018, %and3A_1021], %broadcast_in_dim3A_384 {add = true} : memref<8x128xf32, #tpu.memory_space<vmem>>[vector<16xi32>, vector<16xi32>], vector<16xf32>,
    %get3A_1022 = arith.constant 8 : i32
    %get3A_1023 = arith.index_cast %get3A_1022 : i32 to index
    %get3A_1024 = arith.constant 0 : index
    %get3A_1025 = tpu.vector_load %arg4[%get3A_1023, %get3A_1024] {strides = array<i32>} : memref<16x128xi32, #tpu.memory_space<vmem>>, vector<16xi32>,
    %shift_right_logical3A_1026 = arith.constant 7 : i32
    %shift_right_logical3A_1027 = vector.broadcast %shift_right_logical3A_1026 : i32 to vector<16xi32>
    %shift_right_logical3A_1028 = arith.shrui %get3A_1025, %shift_right_logical3A_1027 : vector<16xi32>
    %and3A_1029 = arith.constant 127 : i32
    %and3A_1030 = vector.broadcast %and3A_1029 : i32 to vector<16xi32>
    %and3A_1031 = arith.andi %get3A_1025, %and3A_1030 : vector<16xi32>
    tpu.vector_store_idx %arg5[%shift_right_logical3A_1028, %and3A_1031], %broadcast_in_dim3A_384 {add = true} : memref<8x128xf32, #tpu.memory_space<vmem>>[vector<16xi32>, vector<16xi32>], vector<16xf32>,
    %get3A_1032 = arith.constant 8 : i32
    %get3A_1033 = arith.index_cast %get3A_1032 : i32 to index
    %get3A_1034 = arith.constant 16 : index
    %get3A_1035 = tpu.vector_load %arg4[%get3A_1033, %get3A_1034] {strides = array<i32>} : memref<16x128xi32, #tpu.memory_space<vmem>>, vector<16xi32>,
    %shift_right_logical3A_1036 = arith.constant 7 : i32
    %shift_right_logical3A_1037 = vector.broadcast %shift_right_logical3A_1036 : i32 to vector<16xi32>
    %shift_right_logical3A_1038 = arith.shrui %get3A_1035, %shift_right_logical3A_1037 : vector<16xi32>
    %and3A_1039 = arith.constant 127 : i32
    %and3A_1040 = vector.broadcast %and3A_1039 : i32 to vector<16xi32>
    %and3A_1041 = arith.andi %get3A_1035, %and3A_1040 : vector<16xi32>
    tpu.vector_store_idx %arg5[%shift_right_logical3A_1038, %and3A_1041], %broadcast_in_dim3A_384 {add = true} : memref<8x128xf32, #tpu.memory_space<vmem>>[vector<16xi32>, vector<16xi32>], vector<16xf32>,
    %get3A_1042 = arith.constant 8 : i32
    %get3A_1043 = arith.index_cast %get3A_1042 : i32 to index
    %get3A_1044 = arith.constant 32 : index
    %get3A_1045 = tpu.vector_load %arg4[%get3A_1043, %get3A_1044] {strides = array<i32>} : memref<16x128xi32, #tpu.memory_space<vmem>>, vector<16xi32>,
    %shift_right_logical3A_1046 = arith.constant 7 : i32
    %shift_right_logical3A_1047 = vector.broadcast %shift_right_logical3A_1046 : i32 to vector<16xi32>
    %shift_right_logical3A_1048 = arith.shrui %get3A_1045, %shift_right_logical3A_1047 : vector<16xi32>
    %and3A_1049 = arith.constant 127 : i32
    %and3A_1050 = vector.broadcast %and3A_1049 : i32 to vector<16xi32>
    %and3A_1051 = arith.andi %get3A_1045, %and3A_1050 : vector<16xi32>
    tpu.vector_store_idx %arg5[%shift_right_logical3A_1048, %and3A_1051], %broadcast_in_dim3A_384 {add = true} : memref<8x128xf32, #tpu.memory_space<vmem>>[vector<16xi32>, vector<16xi32>], vector<16xf32>,
    %get3A_1052 = arith.constant 8 : i32
    %get3A_1053 = arith.index_cast %get3A_1052 : i32 to index
    %get3A_1054 = arith.constant 48 : index
    %get3A_1055 = tpu.vector_load %arg4[%get3A_1053, %get3A_1054] {strides = array<i32>} : memref<16x128xi32, #tpu.memory_space<vmem>>, vector<16xi32>,
    %shift_right_logical3A_1056 = arith.constant 7 : i32
    %shift_right_logical3A_1057 = vector.broadcast %shift_right_logical3A_1056 : i32 to vector<16xi32>
    %shift_right_logical3A_1058 = arith.shrui %get3A_1055, %shift_right_logical3A_1057 : vector<16xi32>
    %and3A_1059 = arith.constant 127 : i32
    %and3A_1060 = vector.broadcast %and3A_1059 : i32 to vector<16xi32>
    %and3A_1061 = arith.andi %get3A_1055, %and3A_1060 : vector<16xi32>
    tpu.vector_store_idx %arg5[%shift_right_logical3A_1058, %and3A_1061], %broadcast_in_dim3A_384 {add = true} : memref<8x128xf32, #tpu.memory_space<vmem>>[vector<16xi32>, vector<16xi32>], vector<16xf32>,
    %get3A_1062 = arith.constant 8 : i32
    %get3A_1063 = arith.index_cast %get3A_1062 : i32 to index
    %get3A_1064 = arith.constant 64 : index
    %get3A_1065 = tpu.vector_load %arg4[%get3A_1063, %get3A_1064] {strides = array<i32>} : memref<16x128xi32, #tpu.memory_space<vmem>>, vector<16xi32>,
    %shift_right_logical3A_1066 = arith.constant 7 : i32
    %shift_right_logical3A_1067 = vector.broadcast %shift_right_logical3A_1066 : i32 to vector<16xi32>
    %shift_right_logical3A_1068 = arith.shrui %get3A_1065, %shift_right_logical3A_1067 : vector<16xi32>
    %and3A_1069 = arith.constant 127 : i32
    %and3A_1070 = vector.broadcast %and3A_1069 : i32 to vector<16xi32>
    %and3A_1071 = arith.andi %get3A_1065, %and3A_1070 : vector<16xi32>
    tpu.vector_store_idx %arg5[%shift_right_logical3A_1068, %and3A_1071], %broadcast_in_dim3A_384 {add = true} : memref<8x128xf32, #tpu.memory_space<vmem>>[vector<16xi32>, vector<16xi32>], vector<16xf32>,
    %get3A_1072 = arith.constant 8 : i32
    %get3A_1073 = arith.index_cast %get3A_1072 : i32 to index
    %get3A_1074 = arith.constant 80 : index
    %get3A_1075 = tpu.vector_load %arg4[%get3A_1073, %get3A_1074] {strides = array<i32>} : memref<16x128xi32, #tpu.memory_space<vmem>>, vector<16xi32>,
    %shift_right_logical3A_1076 = arith.constant 7 : i32
    %shift_right_logical3A_1077 = vector.broadcast %shift_right_logical3A_1076 : i32 to vector<16xi32>
    %shift_right_logical3A_1078 = arith.shrui %get3A_1075, %shift_right_logical3A_1077 : vector<16xi32>
    %and3A_1079 = arith.constant 127 : i32
    %and3A_1080 = vector.broadcast %and3A_1079 : i32 to vector<16xi32>
    %and3A_1081 = arith.andi %get3A_1075, %and3A_1080 : vector<16xi32>
    tpu.vector_store_idx %arg5[%shift_right_logical3A_1078, %and3A_1081], %broadcast_in_dim3A_384 {add = true} : memref<8x128xf32, #tpu.memory_space<vmem>>[vector<16xi32>, vector<16xi32>], vector<16xf32>,
    %get3A_1082 = arith.constant 8 : i32
    %get3A_1083 = arith.index_cast %get3A_1082 : i32 to index
    %get3A_1084 = arith.constant 96 : index
    %get3A_1085 = tpu.vector_load %arg4[%get3A_1083, %get3A_1084] {strides = array<i32>} : memref<16x128xi32, #tpu.memory_space<vmem>>, vector<16xi32>,
    %shift_right_logical3A_1086 = arith.constant 7 : i32
    %shift_right_logical3A_1087 = vector.broadcast %shift_right_logical3A_1086 : i32 to vector<16xi32>
    %shift_right_logical3A_1088 = arith.shrui %get3A_1085, %shift_right_logical3A_1087 : vector<16xi32>
    %and3A_1089 = arith.constant 127 : i32
    %and3A_1090 = vector.broadcast %and3A_1089 : i32 to vector<16xi32>
    %and3A_1091 = arith.andi %get3A_1085, %and3A_1090 : vector<16xi32>
    tpu.vector_store_idx %arg5[%shift_right_logical3A_1088, %and3A_1091], %broadcast_in_dim3A_384 {add = true} : memref<8x128xf32, #tpu.memory_space<vmem>>[vector<16xi32>, vector<16xi32>], vector<16xf32>,
    %get3A_1092 = arith.constant 8 : i32
    %get3A_1093 = arith.index_cast %get3A_1092 : i32 to index
    %get3A_1094 = arith.constant 112 : index
    %get3A_1095 = tpu.vector_load %arg4[%get3A_1093, %get3A_1094] {strides = array<i32>} : memref<16x128xi32, #tpu.memory_space<vmem>>, vector<16xi32>,
    %shift_right_logical3A_1096 = arith.constant 7 : i32
    %shift_right_logical3A_1097 = vector.broadcast %shift_right_logical3A_1096 : i32 to vector<16xi32>
    %shift_right_logical3A_1098 = arith.shrui %get3A_1095, %shift_right_logical3A_1097 : vector<16xi32>
    %and3A_1099 = arith.constant 127 : i32
    %and3A_1100 = vector.broadcast %and3A_1099 : i32 to vector<16xi32>
    %and3A_1101 = arith.andi %get3A_1095, %and3A_1100 : vector<16xi32>
    tpu.vector_store_idx %arg5[%shift_right_logical3A_1098, %and3A_1101], %broadcast_in_dim3A_384 {add = true} : memref<8x128xf32, #tpu.memory_space<vmem>>[vector<16xi32>, vector<16xi32>], vector<16xf32>,
    %get3A_1102 = arith.constant 9 : i32
    %get3A_1103 = arith.index_cast %get3A_1102 : i32 to index
    %get3A_1104 = arith.constant 0 : index
    %get3A_1105 = tpu.vector_load %arg4[%get3A_1103, %get3A_1104] {strides = array<i32>} : memref<16x128xi32, #tpu.memory_space<vmem>>, vector<16xi32>,
    %shift_right_logical3A_1106 = arith.constant 7 : i32
    %shift_right_logical3A_1107 = vector.broadcast %shift_right_logical3A_1106 : i32 to vector<16xi32>
    %shift_right_logical3A_1108 = arith.shrui %get3A_1105, %shift_right_logical3A_1107 : vector<16xi32>
    %and3A_1109 = arith.constant 127 : i32
    %and3A_1110 = vector.broadcast %and3A_1109 : i32 to vector<16xi32>
    %and3A_1111 = arith.andi %get3A_1105, %and3A_1110 : vector<16xi32>
    tpu.vector_store_idx %arg5[%shift_right_logical3A_1108, %and3A_1111], %broadcast_in_dim3A_384 {add = true} : memref<8x128xf32, #tpu.memory_space<vmem>>[vector<16xi32>, vector<16xi32>], vector<16xf32>,
    %get3A_1112 = arith.constant 9 : i32
    %get3A_1113 = arith.index_cast %get3A_1112 : i32 to index
    %get3A_1114 = arith.constant 16 : index
    %get3A_1115 = tpu.vector_load %arg4[%get3A_1113, %get3A_1114] {strides = array<i32>} : memref<16x128xi32, #tpu.memory_space<vmem>>, vector<16xi32>,
    %shift_right_logical3A_1116 = arith.constant 7 : i32
    %shift_right_logical3A_1117 = vector.broadcast %shift_right_logical3A_1116 : i32 to vector<16xi32>
    %shift_right_logical3A_1118 = arith.shrui %get3A_1115, %shift_right_logical3A_1117 : vector<16xi32>
    %and3A_1119 = arith.constant 127 : i32
    %and3A_1120 = vector.broadcast %and3A_1119 : i32 to vector<16xi32>
    %and3A_1121 = arith.andi %get3A_1115, %and3A_1120 : vector<16xi32>
    tpu.vector_store_idx %arg5[%shift_right_logical3A_1118, %and3A_1121], %broadcast_in_dim3A_384 {add = true} : memref<8x128xf32, #tpu.memory_space<vmem>>[vector<16xi32>, vector<16xi32>], vector<16xf32>,
    %get3A_1122 = arith.constant 9 : i32
    %get3A_1123 = arith.index_cast %get3A_1122 : i32 to index
    %get3A_1124 = arith.constant 32 : index
    %get3A_1125 = tpu.vector_load %arg4[%get3A_1123, %get3A_1124] {strides = array<i32>} : memref<16x128xi32, #tpu.memory_space<vmem>>, vector<16xi32>,
    %shift_right_logical3A_1126 = arith.constant 7 : i32
    %shift_right_logical3A_1127 = vector.broadcast %shift_right_logical3A_1126 : i32 to vector<16xi32>
    %shift_right_logical3A_1128 = arith.shrui %get3A_1125, %shift_right_logical3A_1127 : vector<16xi32>
    %and3A_1129 = arith.constant 127 : i32
    %and3A_1130 = vector.broadcast %and3A_1129 : i32 to vector<16xi32>
    %and3A_1131 = arith.andi %get3A_1125, %and3A_1130 : vector<16xi32>
    tpu.vector_store_idx %arg5[%shift_right_logical3A_1128, %and3A_1131], %broadcast_in_dim3A_384 {add = true} : memref<8x128xf32, #tpu.memory_space<vmem>>[vector<16xi32>, vector<16xi32>], vector<16xf32>,
    %get3A_1132 = arith.constant 9 : i32
    %get3A_1133 = arith.index_cast %get3A_1132 : i32 to index
    %get3A_1134 = arith.constant 48 : index
    %get3A_1135 = tpu.vector_load %arg4[%get3A_1133, %get3A_1134] {strides = array<i32>} : memref<16x128xi32, #tpu.memory_space<vmem>>, vector<16xi32>,
    %shift_right_logical3A_1136 = arith.constant 7 : i32
    %shift_right_logical3A_1137 = vector.broadcast %shift_right_logical3A_1136 : i32 to vector<16xi32>
    %shift_right_logical3A_1138 = arith.shrui %get3A_1135, %shift_right_logical3A_1137 : vector<16xi32>
    %and3A_1139 = arith.constant 127 : i32
    %and3A_1140 = vector.broadcast %and3A_1139 : i32 to vector<16xi32>
    %and3A_1141 = arith.andi %get3A_1135, %and3A_1140 : vector<16xi32>
    tpu.vector_store_idx %arg5[%shift_right_logical3A_1138, %and3A_1141], %broadcast_in_dim3A_384 {add = true} : memref<8x128xf32, #tpu.memory_space<vmem>>[vector<16xi32>, vector<16xi32>], vector<16xf32>,
    %get3A_1142 = arith.constant 9 : i32
    %get3A_1143 = arith.index_cast %get3A_1142 : i32 to index
    %get3A_1144 = arith.constant 64 : index
    %get3A_1145 = tpu.vector_load %arg4[%get3A_1143, %get3A_1144] {strides = array<i32>} : memref<16x128xi32, #tpu.memory_space<vmem>>, vector<16xi32>,
    %shift_right_logical3A_1146 = arith.constant 7 : i32
    %shift_right_logical3A_1147 = vector.broadcast %shift_right_logical3A_1146 : i32 to vector<16xi32>
    %shift_right_logical3A_1148 = arith.shrui %get3A_1145, %shift_right_logical3A_1147 : vector<16xi32>
    %and3A_1149 = arith.constant 127 : i32
    %and3A_1150 = vector.broadcast %and3A_1149 : i32 to vector<16xi32>
    %and3A_1151 = arith.andi %get3A_1145, %and3A_1150 : vector<16xi32>
    tpu.vector_store_idx %arg5[%shift_right_logical3A_1148, %and3A_1151], %broadcast_in_dim3A_384 {add = true} : memref<8x128xf32, #tpu.memory_space<vmem>>[vector<16xi32>, vector<16xi32>], vector<16xf32>,
    %get3A_1152 = arith.constant 9 : i32
    %get3A_1153 = arith.index_cast %get3A_1152 : i32 to index
    %get3A_1154 = arith.constant 80 : index
    %get3A_1155 = tpu.vector_load %arg4[%get3A_1153, %get3A_1154] {strides = array<i32>} : memref<16x128xi32, #tpu.memory_space<vmem>>, vector<16xi32>,
    %shift_right_logical3A_1156 = arith.constant 7 : i32
    %shift_right_logical3A_1157 = vector.broadcast %shift_right_logical3A_1156 : i32 to vector<16xi32>
    %shift_right_logical3A_1158 = arith.shrui %get3A_1155, %shift_right_logical3A_1157 : vector<16xi32>
    %and3A_1159 = arith.constant 127 : i32
    %and3A_1160 = vector.broadcast %and3A_1159 : i32 to vector<16xi32>
    %and3A_1161 = arith.andi %get3A_1155, %and3A_1160 : vector<16xi32>
    tpu.vector_store_idx %arg5[%shift_right_logical3A_1158, %and3A_1161], %broadcast_in_dim3A_384 {add = true} : memref<8x128xf32, #tpu.memory_space<vmem>>[vector<16xi32>, vector<16xi32>], vector<16xf32>,
    %get3A_1162 = arith.constant 9 : i32
    %get3A_1163 = arith.index_cast %get3A_1162 : i32 to index
    %get3A_1164 = arith.constant 96 : index
    %get3A_1165 = tpu.vector_load %arg4[%get3A_1163, %get3A_1164] {strides = array<i32>} : memref<16x128xi32, #tpu.memory_space<vmem>>, vector<16xi32>,
    %shift_right_logical3A_1166 = arith.constant 7 : i32
    %shift_right_logical3A_1167 = vector.broadcast %shift_right_logical3A_1166 : i32 to vector<16xi32>
    %shift_right_logical3A_1168 = arith.shrui %get3A_1165, %shift_right_logical3A_1167 : vector<16xi32>
    %and3A_1169 = arith.constant 127 : i32
    %and3A_1170 = vector.broadcast %and3A_1169 : i32 to vector<16xi32>
    %and3A_1171 = arith.andi %get3A_1165, %and3A_1170 : vector<16xi32>
    tpu.vector_store_idx %arg5[%shift_right_logical3A_1168, %and3A_1171], %broadcast_in_dim3A_384 {add = true} : memref<8x128xf32, #tpu.memory_space<vmem>>[vector<16xi32>, vector<16xi32>], vector<16xf32>,
    %get3A_1172 = arith.constant 9 : i32
    %get3A_1173 = arith.index_cast %get3A_1172 : i32 to index
    %get3A_1174 = arith.constant 112 : index
    %get3A_1175 = tpu.vector_load %arg4[%get3A_1173, %get3A_1174] {strides = array<i32>} : memref<16x128xi32, #tpu.memory_space<vmem>>, vector<16xi32>,
    %shift_right_logical3A_1176 = arith.constant 7 : i32
    %shift_right_logical3A_1177 = vector.broadcast %shift_right_logical3A_1176 : i32 to vector<16xi32>
    %shift_right_logical3A_1178 = arith.shrui %get3A_1175, %shift_right_logical3A_1177 : vector<16xi32>
    %and3A_1179 = arith.constant 127 : i32
    %and3A_1180 = vector.broadcast %and3A_1179 : i32 to vector<16xi32>
    %and3A_1181 = arith.andi %get3A_1175, %and3A_1180 : vector<16xi32>
    tpu.vector_store_idx %arg5[%shift_right_logical3A_1178, %and3A_1181], %broadcast_in_dim3A_384 {add = true} : memref<8x128xf32, #tpu.memory_space<vmem>>[vector<16xi32>, vector<16xi32>], vector<16xf32>,
    %get3A_1182 = arith.constant 10 : i32
    %get3A_1183 = arith.index_cast %get3A_1182 : i32 to index
    %get3A_1184 = arith.constant 0 : index
    %get3A_1185 = tpu.vector_load %arg4[%get3A_1183, %get3A_1184] {strides = array<i32>} : memref<16x128xi32, #tpu.memory_space<vmem>>, vector<16xi32>,
    %shift_right_logical3A_1186 = arith.constant 7 : i32
    %shift_right_logical3A_1187 = vector.broadcast %shift_right_logical3A_1186 : i32 to vector<16xi32>
    %shift_right_logical3A_1188 = arith.shrui %get3A_1185, %shift_right_logical3A_1187 : vector<16xi32>
    %and3A_1189 = arith.constant 127 : i32
    %and3A_1190 = vector.broadcast %and3A_1189 : i32 to vector<16xi32>
    %and3A_1191 = arith.andi %get3A_1185, %and3A_1190 : vector<16xi32>
    tpu.vector_store_idx %arg5[%shift_right_logical3A_1188, %and3A_1191], %broadcast_in_dim3A_384 {add = true} : memref<8x128xf32, #tpu.memory_space<vmem>>[vector<16xi32>, vector<16xi32>], vector<16xf32>,
    %get3A_1192 = arith.constant 10 : i32
    %get3A_1193 = arith.index_cast %get3A_1192 : i32 to index
    %get3A_1194 = arith.constant 16 : index
    %get3A_1195 = tpu.vector_load %arg4[%get3A_1193, %get3A_1194] {strides = array<i32>} : memref<16x128xi32, #tpu.memory_space<vmem>>, vector<16xi32>,
    %shift_right_logical3A_1196 = arith.constant 7 : i32
    %shift_right_logical3A_1197 = vector.broadcast %shift_right_logical3A_1196 : i32 to vector<16xi32>
    %shift_right_logical3A_1198 = arith.shrui %get3A_1195, %shift_right_logical3A_1197 : vector<16xi32>
    %and3A_1199 = arith.constant 127 : i32
    %and3A_1200 = vector.broadcast %and3A_1199 : i32 to vector<16xi32>
    %and3A_1201 = arith.andi %get3A_1195, %and3A_1200 : vector<16xi32>
    tpu.vector_store_idx %arg5[%shift_right_logical3A_1198, %and3A_1201], %broadcast_in_dim3A_384 {add = true} : memref<8x128xf32, #tpu.memory_space<vmem>>[vector<16xi32>, vector<16xi32>], vector<16xf32>,
    %get3A_1202 = arith.constant 10 : i32
    %get3A_1203 = arith.index_cast %get3A_1202 : i32 to index
    %get3A_1204 = arith.constant 32 : index
    %get3A_1205 = tpu.vector_load %arg4[%get3A_1203, %get3A_1204] {strides = array<i32>} : memref<16x128xi32, #tpu.memory_space<vmem>>, vector<16xi32>,
    %shift_right_logical3A_1206 = arith.constant 7 : i32
    %shift_right_logical3A_1207 = vector.broadcast %shift_right_logical3A_1206 : i32 to vector<16xi32>
    %shift_right_logical3A_1208 = arith.shrui %get3A_1205, %shift_right_logical3A_1207 : vector<16xi32>
    %and3A_1209 = arith.constant 127 : i32
    %and3A_1210 = vector.broadcast %and3A_1209 : i32 to vector<16xi32>
    %and3A_1211 = arith.andi %get3A_1205, %and3A_1210 : vector<16xi32>
    tpu.vector_store_idx %arg5[%shift_right_logical3A_1208, %and3A_1211], %broadcast_in_dim3A_384 {add = true} : memref<8x128xf32, #tpu.memory_space<vmem>>[vector<16xi32>, vector<16xi32>], vector<16xf32>,
    %get3A_1212 = arith.constant 10 : i32
    %get3A_1213 = arith.index_cast %get3A_1212 : i32 to index
    %get3A_1214 = arith.constant 48 : index
    %get3A_1215 = tpu.vector_load %arg4[%get3A_1213, %get3A_1214] {strides = array<i32>} : memref<16x128xi32, #tpu.memory_space<vmem>>, vector<16xi32>,
    %shift_right_logical3A_1216 = arith.constant 7 : i32
    %shift_right_logical3A_1217 = vector.broadcast %shift_right_logical3A_1216 : i32 to vector<16xi32>
    %shift_right_logical3A_1218 = arith.shrui %get3A_1215, %shift_right_logical3A_1217 : vector<16xi32>
    %and3A_1219 = arith.constant 127 : i32
    %and3A_1220 = vector.broadcast %and3A_1219 : i32 to vector<16xi32>
    %and3A_1221 = arith.andi %get3A_1215, %and3A_1220 : vector<16xi32>
    tpu.vector_store_idx %arg5[%shift_right_logical3A_1218, %and3A_1221], %broadcast_in_dim3A_384 {add = true} : memref<8x128xf32, #tpu.memory_space<vmem>>[vector<16xi32>, vector<16xi32>], vector<16xf32>,
    %get3A_1222 = arith.constant 10 : i32
    %get3A_1223 = arith.index_cast %get3A_1222 : i32 to index
    %get3A_1224 = arith.constant 64 : index
    %get3A_1225 = tpu.vector_load %arg4[%get3A_1223, %get3A_1224] {strides = array<i32>} : memref<16x128xi32, #tpu.memory_space<vmem>>, vector<16xi32>,
    %shift_right_logical3A_1226 = arith.constant 7 : i32
    %shift_right_logical3A_1227 = vector.broadcast %shift_right_logical3A_1226 : i32 to vector<16xi32>
    %shift_right_logical3A_1228 = arith.shrui %get3A_1225, %shift_right_logical3A_1227 : vector<16xi32>
    %and3A_1229 = arith.constant 127 : i32
    %and3A_1230 = vector.broadcast %and3A_1229 : i32 to vector<16xi32>
    %and3A_1231 = arith.andi %get3A_1225, %and3A_1230 : vector<16xi32>
    tpu.vector_store_idx %arg5[%shift_right_logical3A_1228, %and3A_1231], %broadcast_in_dim3A_384 {add = true} : memref<8x128xf32, #tpu.memory_space<vmem>>[vector<16xi32>, vector<16xi32>], vector<16xf32>,
    %get3A_1232 = arith.constant 10 : i32
    %get3A_1233 = arith.index_cast %get3A_1232 : i32 to index
    %get3A_1234 = arith.constant 80 : index
    %get3A_1235 = tpu.vector_load %arg4[%get3A_1233, %get3A_1234] {strides = array<i32>} : memref<16x128xi32, #tpu.memory_space<vmem>>, vector<16xi32>,
    %shift_right_logical3A_1236 = arith.constant 7 : i32
    %shift_right_logical3A_1237 = vector.broadcast %shift_right_logical3A_1236 : i32 to vector<16xi32>
    %shift_right_logical3A_1238 = arith.shrui %get3A_1235, %shift_right_logical3A_1237 : vector<16xi32>
    %and3A_1239 = arith.constant 127 : i32
    %and3A_1240 = vector.broadcast %and3A_1239 : i32 to vector<16xi32>
    %and3A_1241 = arith.andi %get3A_1235, %and3A_1240 : vector<16xi32>
    tpu.vector_store_idx %arg5[%shift_right_logical3A_1238, %and3A_1241], %broadcast_in_dim3A_384 {add = true} : memref<8x128xf32, #tpu.memory_space<vmem>>[vector<16xi32>, vector<16xi32>], vector<16xf32>,
    %get3A_1242 = arith.constant 10 : i32
    %get3A_1243 = arith.index_cast %get3A_1242 : i32 to index
    %get3A_1244 = arith.constant 96 : index
    %get3A_1245 = tpu.vector_load %arg4[%get3A_1243, %get3A_1244] {strides = array<i32>} : memref<16x128xi32, #tpu.memory_space<vmem>>, vector<16xi32>,
    %shift_right_logical3A_1246 = arith.constant 7 : i32
    %shift_right_logical3A_1247 = vector.broadcast %shift_right_logical3A_1246 : i32 to vector<16xi32>
    %shift_right_logical3A_1248 = arith.shrui %get3A_1245, %shift_right_logical3A_1247 : vector<16xi32>
    %and3A_1249 = arith.constant 127 : i32
    %and3A_1250 = vector.broadcast %and3A_1249 : i32 to vector<16xi32>
    %and3A_1251 = arith.andi %get3A_1245, %and3A_1250 : vector<16xi32>
    tpu.vector_store_idx %arg5[%shift_right_logical3A_1248, %and3A_1251], %broadcast_in_dim3A_384 {add = true} : memref<8x128xf32, #tpu.memory_space<vmem>>[vector<16xi32>, vector<16xi32>], vector<16xf32>,
    %get3A_1252 = arith.constant 10 : i32
    %get3A_1253 = arith.index_cast %get3A_1252 : i32 to index
    %get3A_1254 = arith.constant 112 : index
    %get3A_1255 = tpu.vector_load %arg4[%get3A_1253, %get3A_1254] {strides = array<i32>} : memref<16x128xi32, #tpu.memory_space<vmem>>, vector<16xi32>,
    %shift_right_logical3A_1256 = arith.constant 7 : i32
    %shift_right_logical3A_1257 = vector.broadcast %shift_right_logical3A_1256 : i32 to vector<16xi32>
    %shift_right_logical3A_1258 = arith.shrui %get3A_1255, %shift_right_logical3A_1257 : vector<16xi32>
    %and3A_1259 = arith.constant 127 : i32
    %and3A_1260 = vector.broadcast %and3A_1259 : i32 to vector<16xi32>
    %and3A_1261 = arith.andi %get3A_1255, %and3A_1260 : vector<16xi32>
    tpu.vector_store_idx %arg5[%shift_right_logical3A_1258, %and3A_1261], %broadcast_in_dim3A_384 {add = true} : memref<8x128xf32, #tpu.memory_space<vmem>>[vector<16xi32>, vector<16xi32>], vector<16xf32>,
    %get3A_1262 = arith.constant 11 : i32
    %get3A_1263 = arith.index_cast %get3A_1262 : i32 to index
    %get3A_1264 = arith.constant 0 : index
    %get3A_1265 = tpu.vector_load %arg4[%get3A_1263, %get3A_1264] {strides = array<i32>} : memref<16x128xi32, #tpu.memory_space<vmem>>, vector<16xi32>,
    %shift_right_logical3A_1266 = arith.constant 7 : i32
    %shift_right_logical3A_1267 = vector.broadcast %shift_right_logical3A_1266 : i32 to vector<16xi32>
    %shift_right_logical3A_1268 = arith.shrui %get3A_1265, %shift_right_logical3A_1267 : vector<16xi32>
    %and3A_1269 = arith.constant 127 : i32
    %and3A_1270 = vector.broadcast %and3A_1269 : i32 to vector<16xi32>
    %and3A_1271 = arith.andi %get3A_1265, %and3A_1270 : vector<16xi32>
    tpu.vector_store_idx %arg5[%shift_right_logical3A_1268, %and3A_1271], %broadcast_in_dim3A_384 {add = true} : memref<8x128xf32, #tpu.memory_space<vmem>>[vector<16xi32>, vector<16xi32>], vector<16xf32>,
    %get3A_1272 = arith.constant 11 : i32
    %get3A_1273 = arith.index_cast %get3A_1272 : i32 to index
    %get3A_1274 = arith.constant 16 : index
    %get3A_1275 = tpu.vector_load %arg4[%get3A_1273, %get3A_1274] {strides = array<i32>} : memref<16x128xi32, #tpu.memory_space<vmem>>, vector<16xi32>,
    %shift_right_logical3A_1276 = arith.constant 7 : i32
    %shift_right_logical3A_1277 = vector.broadcast %shift_right_logical3A_1276 : i32 to vector<16xi32>
    %shift_right_logical3A_1278 = arith.shrui %get3A_1275, %shift_right_logical3A_1277 : vector<16xi32>
    %and3A_1279 = arith.constant 127 : i32
    %and3A_1280 = vector.broadcast %and3A_1279 : i32 to vector<16xi32>
    %and3A_1281 = arith.andi %get3A_1275, %and3A_1280 : vector<16xi32>
    tpu.vector_store_idx %arg5[%shift_right_logical3A_1278, %and3A_1281], %broadcast_in_dim3A_384 {add = true} : memref<8x128xf32, #tpu.memory_space<vmem>>[vector<16xi32>, vector<16xi32>], vector<16xf32>,
    %get3A_1282 = arith.constant 11 : i32
    %get3A_1283 = arith.index_cast %get3A_1282 : i32 to index
    %get3A_1284 = arith.constant 32 : index
    %get3A_1285 = tpu.vector_load %arg4[%get3A_1283, %get3A_1284] {strides = array<i32>} : memref<16x128xi32, #tpu.memory_space<vmem>>, vector<16xi32>,
    %shift_right_logical3A_1286 = arith.constant 7 : i32
    %shift_right_logical3A_1287 = vector.broadcast %shift_right_logical3A_1286 : i32 to vector<16xi32>
    %shift_right_logical3A_1288 = arith.shrui %get3A_1285, %shift_right_logical3A_1287 : vector<16xi32>
    %and3A_1289 = arith.constant 127 : i32
    %and3A_1290 = vector.broadcast %and3A_1289 : i32 to vector<16xi32>
    %and3A_1291 = arith.andi %get3A_1285, %and3A_1290 : vector<16xi32>
    tpu.vector_store_idx %arg5[%shift_right_logical3A_1288, %and3A_1291], %broadcast_in_dim3A_384 {add = true} : memref<8x128xf32, #tpu.memory_space<vmem>>[vector<16xi32>, vector<16xi32>], vector<16xf32>,
    %get3A_1292 = arith.constant 11 : i32
    %get3A_1293 = arith.index_cast %get3A_1292 : i32 to index
    %get3A_1294 = arith.constant 48 : index
    %get3A_1295 = tpu.vector_load %arg4[%get3A_1293, %get3A_1294] {strides = array<i32>} : memref<16x128xi32, #tpu.memory_space<vmem>>, vector<16xi32>,
    %shift_right_logical3A_1296 = arith.constant 7 : i32
    %shift_right_logical3A_1297 = vector.broadcast %shift_right_logical3A_1296 : i32 to vector<16xi32>
    %shift_right_logical3A_1298 = arith.shrui %get3A_1295, %shift_right_logical3A_1297 : vector<16xi32>
    %and3A_1299 = arith.constant 127 : i32
    %and3A_1300 = vector.broadcast %and3A_1299 : i32 to vector<16xi32>
    %and3A_1301 = arith.andi %get3A_1295, %and3A_1300 : vector<16xi32>
    tpu.vector_store_idx %arg5[%shift_right_logical3A_1298, %and3A_1301], %broadcast_in_dim3A_384 {add = true} : memref<8x128xf32, #tpu.memory_space<vmem>>[vector<16xi32>, vector<16xi32>], vector<16xf32>,
    %get3A_1302 = arith.constant 11 : i32
    %get3A_1303 = arith.index_cast %get3A_1302 : i32 to index
    %get3A_1304 = arith.constant 64 : index
    %get3A_1305 = tpu.vector_load %arg4[%get3A_1303, %get3A_1304] {strides = array<i32>} : memref<16x128xi32, #tpu.memory_space<vmem>>, vector<16xi32>,
    %shift_right_logical3A_1306 = arith.constant 7 : i32
    %shift_right_logical3A_1307 = vector.broadcast %shift_right_logical3A_1306 : i32 to vector<16xi32>
    %shift_right_logical3A_1308 = arith.shrui %get3A_1305, %shift_right_logical3A_1307 : vector<16xi32>
    %and3A_1309 = arith.constant 127 : i32
    %and3A_1310 = vector.broadcast %and3A_1309 : i32 to vector<16xi32>
    %and3A_1311 = arith.andi %get3A_1305, %and3A_1310 : vector<16xi32>
    tpu.vector_store_idx %arg5[%shift_right_logical3A_1308, %and3A_1311], %broadcast_in_dim3A_384 {add = true} : memref<8x128xf32, #tpu.memory_space<vmem>>[vector<16xi32>, vector<16xi32>], vector<16xf32>,
    %get3A_1312 = arith.constant 11 : i32
    %get3A_1313 = arith.index_cast %get3A_1312 : i32 to index
    %get3A_1314 = arith.constant 80 : index
    %get3A_1315 = tpu.vector_load %arg4[%get3A_1313, %get3A_1314] {strides = array<i32>} : memref<16x128xi32, #tpu.memory_space<vmem>>, vector<16xi32>,
    %shift_right_logical3A_1316 = arith.constant 7 : i32
    %shift_right_logical3A_1317 = vector.broadcast %shift_right_logical3A_1316 : i32 to vector<16xi32>
    %shift_right_logical3A_1318 = arith.shrui %get3A_1315, %shift_right_logical3A_1317 : vector<16xi32>
    %and3A_1319 = arith.constant 127 : i32
    %and3A_1320 = vector.broadcast %and3A_1319 : i32 to vector<16xi32>
    %and3A_1321 = arith.andi %get3A_1315, %and3A_1320 : vector<16xi32>
    tpu.vector_store_idx %arg5[%shift_right_logical3A_1318, %and3A_1321], %broadcast_in_dim3A_384 {add = true} : memref<8x128xf32, #tpu.memory_space<vmem>>[vector<16xi32>, vector<16xi32>], vector<16xf32>,
    %get3A_1322 = arith.constant 11 : i32
    %get3A_1323 = arith.index_cast %get3A_1322 : i32 to index
    %get3A_1324 = arith.constant 96 : index
    %get3A_1325 = tpu.vector_load %arg4[%get3A_1323, %get3A_1324] {strides = array<i32>} : memref<16x128xi32, #tpu.memory_space<vmem>>, vector<16xi32>,
    %shift_right_logical3A_1326 = arith.constant 7 : i32
    %shift_right_logical3A_1327 = vector.broadcast %shift_right_logical3A_1326 : i32 to vector<16xi32>
    %shift_right_logical3A_1328 = arith.shrui %get3A_1325, %shift_right_logical3A_1327 : vector<16xi32>
    %and3A_1329 = arith.constant 127 : i32
    %and3A_1330 = vector.broadcast %and3A_1329 : i32 to vector<16xi32>
    %and3A_1331 = arith.andi %get3A_1325, %and3A_1330 : vector<16xi32>
    tpu.vector_store_idx %arg5[%shift_right_logical3A_1328, %and3A_1331], %broadcast_in_dim3A_384 {add = true} : memref<8x128xf32, #tpu.memory_space<vmem>>[vector<16xi32>, vector<16xi32>], vector<16xf32>,
    %get3A_1332 = arith.constant 11 : i32
    %get3A_1333 = arith.index_cast %get3A_1332 : i32 to index
    %get3A_1334 = arith.constant 112 : index
    %get3A_1335 = tpu.vector_load %arg4[%get3A_1333, %get3A_1334] {strides = array<i32>} : memref<16x128xi32, #tpu.memory_space<vmem>>, vector<16xi32>,
    %shift_right_logical3A_1336 = arith.constant 7 : i32
    %shift_right_logical3A_1337 = vector.broadcast %shift_right_logical3A_1336 : i32 to vector<16xi32>
    %shift_right_logical3A_1338 = arith.shrui %get3A_1335, %shift_right_logical3A_1337 : vector<16xi32>
    %and3A_1339 = arith.constant 127 : i32
    %and3A_1340 = vector.broadcast %and3A_1339 : i32 to vector<16xi32>
    %and3A_1341 = arith.andi %get3A_1335, %and3A_1340 : vector<16xi32>
    tpu.vector_store_idx %arg5[%shift_right_logical3A_1338, %and3A_1341], %broadcast_in_dim3A_384 {add = true} : memref<8x128xf32, #tpu.memory_space<vmem>>[vector<16xi32>, vector<16xi32>], vector<16xf32>,
    %get3A_1342 = arith.constant 12 : i32
    %get3A_1343 = arith.index_cast %get3A_1342 : i32 to index
    %get3A_1344 = arith.constant 0 : index
    %get3A_1345 = tpu.vector_load %arg4[%get3A_1343, %get3A_1344] {strides = array<i32>} : memref<16x128xi32, #tpu.memory_space<vmem>>, vector<16xi32>,
    %shift_right_logical3A_1346 = arith.constant 7 : i32
    %shift_right_logical3A_1347 = vector.broadcast %shift_right_logical3A_1346 : i32 to vector<16xi32>
    %shift_right_logical3A_1348 = arith.shrui %get3A_1345, %shift_right_logical3A_1347 : vector<16xi32>
    %and3A_1349 = arith.constant 127 : i32
    %and3A_1350 = vector.broadcast %and3A_1349 : i32 to vector<16xi32>
    %and3A_1351 = arith.andi %get3A_1345, %and3A_1350 : vector<16xi32>
    tpu.vector_store_idx %arg5[%shift_right_logical3A_1348, %and3A_1351], %broadcast_in_dim3A_384 {add = true} : memref<8x128xf32, #tpu.memory_space<vmem>>[vector<16xi32>, vector<16xi32>], vector<16xf32>,
    %get3A_1352 = arith.constant 12 : i32
    %get3A_1353 = arith.index_cast %get3A_1352 : i32 to index
    %get3A_1354 = arith.constant 16 : index
    %get3A_1355 = tpu.vector_load %arg4[%get3A_1353, %get3A_1354] {strides = array<i32>} : memref<16x128xi32, #tpu.memory_space<vmem>>, vector<16xi32>,
    %shift_right_logical3A_1356 = arith.constant 7 : i32
    %shift_right_logical3A_1357 = vector.broadcast %shift_right_logical3A_1356 : i32 to vector<16xi32>
    %shift_right_logical3A_1358 = arith.shrui %get3A_1355, %shift_right_logical3A_1357 : vector<16xi32>
    %and3A_1359 = arith.constant 127 : i32
    %and3A_1360 = vector.broadcast %and3A_1359 : i32 to vector<16xi32>
    %and3A_1361 = arith.andi %get3A_1355, %and3A_1360 : vector<16xi32>
    tpu.vector_store_idx %arg5[%shift_right_logical3A_1358, %and3A_1361], %broadcast_in_dim3A_384 {add = true} : memref<8x128xf32, #tpu.memory_space<vmem>>[vector<16xi32>, vector<16xi32>], vector<16xf32>,
    %get3A_1362 = arith.constant 12 : i32
    %get3A_1363 = arith.index_cast %get3A_1362 : i32 to index
    %get3A_1364 = arith.constant 32 : index
    %get3A_1365 = tpu.vector_load %arg4[%get3A_1363, %get3A_1364] {strides = array<i32>} : memref<16x128xi32, #tpu.memory_space<vmem>>, vector<16xi32>,
    %shift_right_logical3A_1366 = arith.constant 7 : i32
    %shift_right_logical3A_1367 = vector.broadcast %shift_right_logical3A_1366 : i32 to vector<16xi32>
    %shift_right_logical3A_1368 = arith.shrui %get3A_1365, %shift_right_logical3A_1367 : vector<16xi32>
    %and3A_1369 = arith.constant 127 : i32
    %and3A_1370 = vector.broadcast %and3A_1369 : i32 to vector<16xi32>
    %and3A_1371 = arith.andi %get3A_1365, %and3A_1370 : vector<16xi32>
    tpu.vector_store_idx %arg5[%shift_right_logical3A_1368, %and3A_1371], %broadcast_in_dim3A_384 {add = true} : memref<8x128xf32, #tpu.memory_space<vmem>>[vector<16xi32>, vector<16xi32>], vector<16xf32>,
    %get3A_1372 = arith.constant 12 : i32
    %get3A_1373 = arith.index_cast %get3A_1372 : i32 to index
    %get3A_1374 = arith.constant 48 : index
    %get3A_1375 = tpu.vector_load %arg4[%get3A_1373, %get3A_1374] {strides = array<i32>} : memref<16x128xi32, #tpu.memory_space<vmem>>, vector<16xi32>,
    %shift_right_logical3A_1376 = arith.constant 7 : i32
    %shift_right_logical3A_1377 = vector.broadcast %shift_right_logical3A_1376 : i32 to vector<16xi32>
    %shift_right_logical3A_1378 = arith.shrui %get3A_1375, %shift_right_logical3A_1377 : vector<16xi32>
    %and3A_1379 = arith.constant 127 : i32
    %and3A_1380 = vector.broadcast %and3A_1379 : i32 to vector<16xi32>
    %and3A_1381 = arith.andi %get3A_1375, %and3A_1380 : vector<16xi32>
    tpu.vector_store_idx %arg5[%shift_right_logical3A_1378, %and3A_1381], %broadcast_in_dim3A_384 {add = true} : memref<8x128xf32, #tpu.memory_space<vmem>>[vector<16xi32>, vector<16xi32>], vector<16xf32>,
    %get3A_1382 = arith.constant 12 : i32
    %get3A_1383 = arith.index_cast %get3A_1382 : i32 to index
    %get3A_1384 = arith.constant 64 : index
    %get3A_1385 = tpu.vector_load %arg4[%get3A_1383, %get3A_1384] {strides = array<i32>} : memref<16x128xi32, #tpu.memory_space<vmem>>, vector<16xi32>,
    %shift_right_logical3A_1386 = arith.constant 7 : i32
    %shift_right_logical3A_1387 = vector.broadcast %shift_right_logical3A_1386 : i32 to vector<16xi32>
    %shift_right_logical3A_1388 = arith.shrui %get3A_1385, %shift_right_logical3A_1387 : vector<16xi32>
    %and3A_1389 = arith.constant 127 : i32
    %and3A_1390 = vector.broadcast %and3A_1389 : i32 to vector<16xi32>
    %and3A_1391 = arith.andi %get3A_1385, %and3A_1390 : vector<16xi32>
    tpu.vector_store_idx %arg5[%shift_right_logical3A_1388, %and3A_1391], %broadcast_in_dim3A_384 {add = true} : memref<8x128xf32, #tpu.memory_space<vmem>>[vector<16xi32>, vector<16xi32>], vector<16xf32>,
    %get3A_1392 = arith.constant 12 : i32
    %get3A_1393 = arith.index_cast %get3A_1392 : i32 to index
    %get3A_1394 = arith.constant 80 : index
    %get3A_1395 = tpu.vector_load %arg4[%get3A_1393, %get3A_1394] {strides = array<i32>} : memref<16x128xi32, #tpu.memory_space<vmem>>, vector<16xi32>,
    %shift_right_logical3A_1396 = arith.constant 7 : i32
    %shift_right_logical3A_1397 = vector.broadcast %shift_right_logical3A_1396 : i32 to vector<16xi32>
    %shift_right_logical3A_1398 = arith.shrui %get3A_1395, %shift_right_logical3A_1397 : vector<16xi32>
    %and3A_1399 = arith.constant 127 : i32
    %and3A_1400 = vector.broadcast %and3A_1399 : i32 to vector<16xi32>
    %and3A_1401 = arith.andi %get3A_1395, %and3A_1400 : vector<16xi32>
    tpu.vector_store_idx %arg5[%shift_right_logical3A_1398, %and3A_1401], %broadcast_in_dim3A_384 {add = true} : memref<8x128xf32, #tpu.memory_space<vmem>>[vector<16xi32>, vector<16xi32>], vector<16xf32>,
    %get3A_1402 = arith.constant 12 : i32
    %get3A_1403 = arith.index_cast %get3A_1402 : i32 to index
    %get3A_1404 = arith.constant 96 : index
    %get3A_1405 = tpu.vector_load %arg4[%get3A_1403, %get3A_1404] {strides = array<i32>} : memref<16x128xi32, #tpu.memory_space<vmem>>, vector<16xi32>,
    %shift_right_logical3A_1406 = arith.constant 7 : i32
    %shift_right_logical3A_1407 = vector.broadcast %shift_right_logical3A_1406 : i32 to vector<16xi32>
    %shift_right_logical3A_1408 = arith.shrui %get3A_1405, %shift_right_logical3A_1407 : vector<16xi32>
    %and3A_1409 = arith.constant 127 : i32
    %and3A_1410 = vector.broadcast %and3A_1409 : i32 to vector<16xi32>
    %and3A_1411 = arith.andi %get3A_1405, %and3A_1410 : vector<16xi32>
    tpu.vector_store_idx %arg5[%shift_right_logical3A_1408, %and3A_1411], %broadcast_in_dim3A_384 {add = true} : memref<8x128xf32, #tpu.memory_space<vmem>>[vector<16xi32>, vector<16xi32>], vector<16xf32>,
    %get3A_1412 = arith.constant 12 : i32
    %get3A_1413 = arith.index_cast %get3A_1412 : i32 to index
    %get3A_1414 = arith.constant 112 : index
    %get3A_1415 = tpu.vector_load %arg4[%get3A_1413, %get3A_1414] {strides = array<i32>} : memref<16x128xi32, #tpu.memory_space<vmem>>, vector<16xi32>,
    %shift_right_logical3A_1416 = arith.constant 7 : i32
    %shift_right_logical3A_1417 = vector.broadcast %shift_right_logical3A_1416 : i32 to vector<16xi32>
    %shift_right_logical3A_1418 = arith.shrui %get3A_1415, %shift_right_logical3A_1417 : vector<16xi32>
    %and3A_1419 = arith.constant 127 : i32
    %and3A_1420 = vector.broadcast %and3A_1419 : i32 to vector<16xi32>
    %and3A_1421 = arith.andi %get3A_1415, %and3A_1420 : vector<16xi32>
    tpu.vector_store_idx %arg5[%shift_right_logical3A_1418, %and3A_1421], %broadcast_in_dim3A_384 {add = true} : memref<8x128xf32, #tpu.memory_space<vmem>>[vector<16xi32>, vector<16xi32>], vector<16xf32>,
    %get3A_1422 = arith.constant 13 : i32
    %get3A_1423 = arith.index_cast %get3A_1422 : i32 to index
    %get3A_1424 = arith.constant 0 : index
    %get3A_1425 = tpu.vector_load %arg4[%get3A_1423, %get3A_1424] {strides = array<i32>} : memref<16x128xi32, #tpu.memory_space<vmem>>, vector<16xi32>,
    %shift_right_logical3A_1426 = arith.constant 7 : i32
    %shift_right_logical3A_1427 = vector.broadcast %shift_right_logical3A_1426 : i32 to vector<16xi32>
    %shift_right_logical3A_1428 = arith.shrui %get3A_1425, %shift_right_logical3A_1427 : vector<16xi32>
    %and3A_1429 = arith.constant 127 : i32
    %and3A_1430 = vector.broadcast %and3A_1429 : i32 to vector<16xi32>
    %and3A_1431 = arith.andi %get3A_1425, %and3A_1430 : vector<16xi32>
    tpu.vector_store_idx %arg5[%shift_right_logical3A_1428, %and3A_1431], %broadcast_in_dim3A_384 {add = true} : memref<8x128xf32, #tpu.memory_space<vmem>>[vector<16xi32>, vector<16xi32>], vector<16xf32>,
    %get3A_1432 = arith.constant 13 : i32
    %get3A_1433 = arith.index_cast %get3A_1432 : i32 to index
    %get3A_1434 = arith.constant 16 : index
    %get3A_1435 = tpu.vector_load %arg4[%get3A_1433, %get3A_1434] {strides = array<i32>} : memref<16x128xi32, #tpu.memory_space<vmem>>, vector<16xi32>,
    %shift_right_logical3A_1436 = arith.constant 7 : i32
    %shift_right_logical3A_1437 = vector.broadcast %shift_right_logical3A_1436 : i32 to vector<16xi32>
    %shift_right_logical3A_1438 = arith.shrui %get3A_1435, %shift_right_logical3A_1437 : vector<16xi32>
    %and3A_1439 = arith.constant 127 : i32
    %and3A_1440 = vector.broadcast %and3A_1439 : i32 to vector<16xi32>
    %and3A_1441 = arith.andi %get3A_1435, %and3A_1440 : vector<16xi32>
    tpu.vector_store_idx %arg5[%shift_right_logical3A_1438, %and3A_1441], %broadcast_in_dim3A_384 {add = true} : memref<8x128xf32, #tpu.memory_space<vmem>>[vector<16xi32>, vector<16xi32>], vector<16xf32>,
    %get3A_1442 = arith.constant 13 : i32
    %get3A_1443 = arith.index_cast %get3A_1442 : i32 to index
    %get3A_1444 = arith.constant 32 : index
    %get3A_1445 = tpu.vector_load %arg4[%get3A_1443, %get3A_1444] {strides = array<i32>} : memref<16x128xi32, #tpu.memory_space<vmem>>, vector<16xi32>,
    %shift_right_logical3A_1446 = arith.constant 7 : i32
    %shift_right_logical3A_1447 = vector.broadcast %shift_right_logical3A_1446 : i32 to vector<16xi32>
    %shift_right_logical3A_1448 = arith.shrui %get3A_1445, %shift_right_logical3A_1447 : vector<16xi32>
    %and3A_1449 = arith.constant 127 : i32
    %and3A_1450 = vector.broadcast %and3A_1449 : i32 to vector<16xi32>
    %and3A_1451 = arith.andi %get3A_1445, %and3A_1450 : vector<16xi32>
    tpu.vector_store_idx %arg5[%shift_right_logical3A_1448, %and3A_1451], %broadcast_in_dim3A_384 {add = true} : memref<8x128xf32, #tpu.memory_space<vmem>>[vector<16xi32>, vector<16xi32>], vector<16xf32>,
    %get3A_1452 = arith.constant 13 : i32
    %get3A_1453 = arith.index_cast %get3A_1452 : i32 to index
    %get3A_1454 = arith.constant 48 : index
    %get3A_1455 = tpu.vector_load %arg4[%get3A_1453, %get3A_1454] {strides = array<i32>} : memref<16x128xi32, #tpu.memory_space<vmem>>, vector<16xi32>,
    %shift_right_logical3A_1456 = arith.constant 7 : i32
    %shift_right_logical3A_1457 = vector.broadcast %shift_right_logical3A_1456 : i32 to vector<16xi32>
    %shift_right_logical3A_1458 = arith.shrui %get3A_1455, %shift_right_logical3A_1457 : vector<16xi32>
    %and3A_1459 = arith.constant 127 : i32
    %and3A_1460 = vector.broadcast %and3A_1459 : i32 to vector<16xi32>
    %and3A_1461 = arith.andi %get3A_1455, %and3A_1460 : vector<16xi32>
    tpu.vector_store_idx %arg5[%shift_right_logical3A_1458, %and3A_1461], %broadcast_in_dim3A_384 {add = true} : memref<8x128xf32, #tpu.memory_space<vmem>>[vector<16xi32>, vector<16xi32>], vector<16xf32>,
    %get3A_1462 = arith.constant 13 : i32
    %get3A_1463 = arith.index_cast %get3A_1462 : i32 to index
    %get3A_1464 = arith.constant 64 : index
    %get3A_1465 = tpu.vector_load %arg4[%get3A_1463, %get3A_1464] {strides = array<i32>} : memref<16x128xi32, #tpu.memory_space<vmem>>, vector<16xi32>,
    %shift_right_logical3A_1466 = arith.constant 7 : i32
    %shift_right_logical3A_1467 = vector.broadcast %shift_right_logical3A_1466 : i32 to vector<16xi32>
    %shift_right_logical3A_1468 = arith.shrui %get3A_1465, %shift_right_logical3A_1467 : vector<16xi32>
    %and3A_1469 = arith.constant 127 : i32
    %and3A_1470 = vector.broadcast %and3A_1469 : i32 to vector<16xi32>
    %and3A_1471 = arith.andi %get3A_1465, %and3A_1470 : vector<16xi32>
    tpu.vector_store_idx %arg5[%shift_right_logical3A_1468, %and3A_1471], %broadcast_in_dim3A_384 {add = true} : memref<8x128xf32, #tpu.memory_space<vmem>>[vector<16xi32>, vector<16xi32>], vector<16xf32>,
    %get3A_1472 = arith.constant 13 : i32
    %get3A_1473 = arith.index_cast %get3A_1472 : i32 to index
    %get3A_1474 = arith.constant 80 : index
    %get3A_1475 = tpu.vector_load %arg4[%get3A_1473, %get3A_1474] {strides = array<i32>} : memref<16x128xi32, #tpu.memory_space<vmem>>, vector<16xi32>,
    %shift_right_logical3A_1476 = arith.constant 7 : i32
    %shift_right_logical3A_1477 = vector.broadcast %shift_right_logical3A_1476 : i32 to vector<16xi32>
    %shift_right_logical3A_1478 = arith.shrui %get3A_1475, %shift_right_logical3A_1477 : vector<16xi32>
    %and3A_1479 = arith.constant 127 : i32
    %and3A_1480 = vector.broadcast %and3A_1479 : i32 to vector<16xi32>
    %and3A_1481 = arith.andi %get3A_1475, %and3A_1480 : vector<16xi32>
    tpu.vector_store_idx %arg5[%shift_right_logical3A_1478, %and3A_1481], %broadcast_in_dim3A_384 {add = true} : memref<8x128xf32, #tpu.memory_space<vmem>>[vector<16xi32>, vector<16xi32>], vector<16xf32>,
    %get3A_1482 = arith.constant 13 : i32
    %get3A_1483 = arith.index_cast %get3A_1482 : i32 to index
    %get3A_1484 = arith.constant 96 : index
    %get3A_1485 = tpu.vector_load %arg4[%get3A_1483, %get3A_1484] {strides = array<i32>} : memref<16x128xi32, #tpu.memory_space<vmem>>, vector<16xi32>,
    %shift_right_logical3A_1486 = arith.constant 7 : i32
    %shift_right_logical3A_1487 = vector.broadcast %shift_right_logical3A_1486 : i32 to vector<16xi32>
    %shift_right_logical3A_1488 = arith.shrui %get3A_1485, %shift_right_logical3A_1487 : vector<16xi32>
    %and3A_1489 = arith.constant 127 : i32
    %and3A_1490 = vector.broadcast %and3A_1489 : i32 to vector<16xi32>
    %and3A_1491 = arith.andi %get3A_1485, %and3A_1490 : vector<16xi32>
    tpu.vector_store_idx %arg5[%shift_right_logical3A_1488, %and3A_1491], %broadcast_in_dim3A_384 {add = true} : memref<8x128xf32, #tpu.memory_space<vmem>>[vector<16xi32>, vector<16xi32>], vector<16xf32>,
    %get3A_1492 = arith.constant 13 : i32
    %get3A_1493 = arith.index_cast %get3A_1492 : i32 to index
    %get3A_1494 = arith.constant 112 : index
    %get3A_1495 = tpu.vector_load %arg4[%get3A_1493, %get3A_1494] {strides = array<i32>} : memref<16x128xi32, #tpu.memory_space<vmem>>, vector<16xi32>,
    %shift_right_logical3A_1496 = arith.constant 7 : i32
    %shift_right_logical3A_1497 = vector.broadcast %shift_right_logical3A_1496 : i32 to vector<16xi32>
    %shift_right_logical3A_1498 = arith.shrui %get3A_1495, %shift_right_logical3A_1497 : vector<16xi32>
    %and3A_1499 = arith.constant 127 : i32
    %and3A_1500 = vector.broadcast %and3A_1499 : i32 to vector<16xi32>
    %and3A_1501 = arith.andi %get3A_1495, %and3A_1500 : vector<16xi32>
    tpu.vector_store_idx %arg5[%shift_right_logical3A_1498, %and3A_1501], %broadcast_in_dim3A_384 {add = true} : memref<8x128xf32, #tpu.memory_space<vmem>>[vector<16xi32>, vector<16xi32>], vector<16xf32>,
    %get3A_1502 = arith.constant 14 : i32
    %get3A_1503 = arith.index_cast %get3A_1502 : i32 to index
    %get3A_1504 = arith.constant 0 : index
    %get3A_1505 = tpu.vector_load %arg4[%get3A_1503, %get3A_1504] {strides = array<i32>} : memref<16x128xi32, #tpu.memory_space<vmem>>, vector<16xi32>,
    %shift_right_logical3A_1506 = arith.constant 7 : i32
    %shift_right_logical3A_1507 = vector.broadcast %shift_right_logical3A_1506 : i32 to vector<16xi32>
    %shift_right_logical3A_1508 = arith.shrui %get3A_1505, %shift_right_logical3A_1507 : vector<16xi32>
    %and3A_1509 = arith.constant 127 : i32
    %and3A_1510 = vector.broadcast %and3A_1509 : i32 to vector<16xi32>
    %and3A_1511 = arith.andi %get3A_1505, %and3A_1510 : vector<16xi32>
    tpu.vector_store_idx %arg5[%shift_right_logical3A_1508, %and3A_1511], %broadcast_in_dim3A_384 {add = true} : memref<8x128xf32, #tpu.memory_space<vmem>>[vector<16xi32>, vector<16xi32>], vector<16xf32>,
    %get3A_1512 = arith.constant 14 : i32
    %get3A_1513 = arith.index_cast %get3A_1512 : i32 to index
    %get3A_1514 = arith.constant 16 : index
    %get3A_1515 = tpu.vector_load %arg4[%get3A_1513, %get3A_1514] {strides = array<i32>} : memref<16x128xi32, #tpu.memory_space<vmem>>, vector<16xi32>,
    %shift_right_logical3A_1516 = arith.constant 7 : i32
    %shift_right_logical3A_1517 = vector.broadcast %shift_right_logical3A_1516 : i32 to vector<16xi32>
    %shift_right_logical3A_1518 = arith.shrui %get3A_1515, %shift_right_logical3A_1517 : vector<16xi32>
    %and3A_1519 = arith.constant 127 : i32
    %and3A_1520 = vector.broadcast %and3A_1519 : i32 to vector<16xi32>
    %and3A_1521 = arith.andi %get3A_1515, %and3A_1520 : vector<16xi32>
    tpu.vector_store_idx %arg5[%shift_right_logical3A_1518, %and3A_1521], %broadcast_in_dim3A_384 {add = true} : memref<8x128xf32, #tpu.memory_space<vmem>>[vector<16xi32>, vector<16xi32>], vector<16xf32>,
    %get3A_1522 = arith.constant 14 : i32
    %get3A_1523 = arith.index_cast %get3A_1522 : i32 to index
    %get3A_1524 = arith.constant 32 : index
    %get3A_1525 = tpu.vector_load %arg4[%get3A_1523, %get3A_1524] {strides = array<i32>} : memref<16x128xi32, #tpu.memory_space<vmem>>, vector<16xi32>,
    %shift_right_logical3A_1526 = arith.constant 7 : i32
    %shift_right_logical3A_1527 = vector.broadcast %shift_right_logical3A_1526 : i32 to vector<16xi32>
    %shift_right_logical3A_1528 = arith.shrui %get3A_1525, %shift_right_logical3A_1527 : vector<16xi32>
    %and3A_1529 = arith.constant 127 : i32
    %and3A_1530 = vector.broadcast %and3A_1529 : i32 to vector<16xi32>
    %and3A_1531 = arith.andi %get3A_1525, %and3A_1530 : vector<16xi32>
    tpu.vector_store_idx %arg5[%shift_right_logical3A_1528, %and3A_1531], %broadcast_in_dim3A_384 {add = true} : memref<8x128xf32, #tpu.memory_space<vmem>>[vector<16xi32>, vector<16xi32>], vector<16xf32>,
    %get3A_1532 = arith.constant 14 : i32
    %get3A_1533 = arith.index_cast %get3A_1532 : i32 to index
    %get3A_1534 = arith.constant 48 : index
    %get3A_1535 = tpu.vector_load %arg4[%get3A_1533, %get3A_1534] {strides = array<i32>} : memref<16x128xi32, #tpu.memory_space<vmem>>, vector<16xi32>,
    %shift_right_logical3A_1536 = arith.constant 7 : i32
    %shift_right_logical3A_1537 = vector.broadcast %shift_right_logical3A_1536 : i32 to vector<16xi32>
    %shift_right_logical3A_1538 = arith.shrui %get3A_1535, %shift_right_logical3A_1537 : vector<16xi32>
    %and3A_1539 = arith.constant 127 : i32
    %and3A_1540 = vector.broadcast %and3A_1539 : i32 to vector<16xi32>
    %and3A_1541 = arith.andi %get3A_1535, %and3A_1540 : vector<16xi32>
    tpu.vector_store_idx %arg5[%shift_right_logical3A_1538, %and3A_1541], %broadcast_in_dim3A_384 {add = true} : memref<8x128xf32, #tpu.memory_space<vmem>>[vector<16xi32>, vector<16xi32>], vector<16xf32>,
    %get3A_1542 = arith.constant 14 : i32
    %get3A_1543 = arith.index_cast %get3A_1542 : i32 to index
    %get3A_1544 = arith.constant 64 : index
    %get3A_1545 = tpu.vector_load %arg4[%get3A_1543, %get3A_1544] {strides = array<i32>} : memref<16x128xi32, #tpu.memory_space<vmem>>, vector<16xi32>,
    %shift_right_logical3A_1546 = arith.constant 7 : i32
    %shift_right_logical3A_1547 = vector.broadcast %shift_right_logical3A_1546 : i32 to vector<16xi32>
    %shift_right_logical3A_1548 = arith.shrui %get3A_1545, %shift_right_logical3A_1547 : vector<16xi32>
    %and3A_1549 = arith.constant 127 : i32
    %and3A_1550 = vector.broadcast %and3A_1549 : i32 to vector<16xi32>
    %and3A_1551 = arith.andi %get3A_1545, %and3A_1550 : vector<16xi32>
    tpu.vector_store_idx %arg5[%shift_right_logical3A_1548, %and3A_1551], %broadcast_in_dim3A_384 {add = true} : memref<8x128xf32, #tpu.memory_space<vmem>>[vector<16xi32>, vector<16xi32>], vector<16xf32>,
    %get3A_1552 = arith.constant 14 : i32
    %get3A_1553 = arith.index_cast %get3A_1552 : i32 to index
    %get3A_1554 = arith.constant 80 : index
    %get3A_1555 = tpu.vector_load %arg4[%get3A_1553, %get3A_1554] {strides = array<i32>} : memref<16x128xi32, #tpu.memory_space<vmem>>, vector<16xi32>,
    %shift_right_logical3A_1556 = arith.constant 7 : i32
    %shift_right_logical3A_1557 = vector.broadcast %shift_right_logical3A_1556 : i32 to vector<16xi32>
    %shift_right_logical3A_1558 = arith.shrui %get3A_1555, %shift_right_logical3A_1557 : vector<16xi32>
    %and3A_1559 = arith.constant 127 : i32
    %and3A_1560 = vector.broadcast %and3A_1559 : i32 to vector<16xi32>
    %and3A_1561 = arith.andi %get3A_1555, %and3A_1560 : vector<16xi32>
    tpu.vector_store_idx %arg5[%shift_right_logical3A_1558, %and3A_1561], %broadcast_in_dim3A_384 {add = true} : memref<8x128xf32, #tpu.memory_space<vmem>>[vector<16xi32>, vector<16xi32>], vector<16xf32>,
    %get3A_1562 = arith.constant 14 : i32
    %get3A_1563 = arith.index_cast %get3A_1562 : i32 to index
    %get3A_1564 = arith.constant 96 : index
    %get3A_1565 = tpu.vector_load %arg4[%get3A_1563, %get3A_1564] {strides = array<i32>} : memref<16x128xi32, #tpu.memory_space<vmem>>, vector<16xi32>,
    %shift_right_logical3A_1566 = arith.constant 7 : i32
    %shift_right_logical3A_1567 = vector.broadcast %shift_right_logical3A_1566 : i32 to vector<16xi32>
    %shift_right_logical3A_1568 = arith.shrui %get3A_1565, %shift_right_logical3A_1567 : vector<16xi32>
    %and3A_1569 = arith.constant 127 : i32
    %and3A_1570 = vector.broadcast %and3A_1569 : i32 to vector<16xi32>
    %and3A_1571 = arith.andi %get3A_1565, %and3A_1570 : vector<16xi32>
    tpu.vector_store_idx %arg5[%shift_right_logical3A_1568, %and3A_1571], %broadcast_in_dim3A_384 {add = true} : memref<8x128xf32, #tpu.memory_space<vmem>>[vector<16xi32>, vector<16xi32>], vector<16xf32>,
    %get3A_1572 = arith.constant 14 : i32
    %get3A_1573 = arith.index_cast %get3A_1572 : i32 to index
    %get3A_1574 = arith.constant 112 : index
    %get3A_1575 = tpu.vector_load %arg4[%get3A_1573, %get3A_1574] {strides = array<i32>} : memref<16x128xi32, #tpu.memory_space<vmem>>, vector<16xi32>,
    %shift_right_logical3A_1576 = arith.constant 7 : i32
    %shift_right_logical3A_1577 = vector.broadcast %shift_right_logical3A_1576 : i32 to vector<16xi32>
    %shift_right_logical3A_1578 = arith.shrui %get3A_1575, %shift_right_logical3A_1577 : vector<16xi32>
    %and3A_1579 = arith.constant 127 : i32
    %and3A_1580 = vector.broadcast %and3A_1579 : i32 to vector<16xi32>
    %and3A_1581 = arith.andi %get3A_1575, %and3A_1580 : vector<16xi32>
    tpu.vector_store_idx %arg5[%shift_right_logical3A_1578, %and3A_1581], %broadcast_in_dim3A_384 {add = true} : memref<8x128xf32, #tpu.memory_space<vmem>>[vector<16xi32>, vector<16xi32>], vector<16xf32>,
    %get3A_1582 = arith.constant 15 : i32
    %get3A_1583 = arith.index_cast %get3A_1582 : i32 to index
    %get3A_1584 = arith.constant 0 : index
    %get3A_1585 = tpu.vector_load %arg4[%get3A_1583, %get3A_1584] {strides = array<i32>} : memref<16x128xi32, #tpu.memory_space<vmem>>, vector<16xi32>,
    %shift_right_logical3A_1586 = arith.constant 7 : i32
    %shift_right_logical3A_1587 = vector.broadcast %shift_right_logical3A_1586 : i32 to vector<16xi32>
    %shift_right_logical3A_1588 = arith.shrui %get3A_1585, %shift_right_logical3A_1587 : vector<16xi32>
    %and3A_1589 = arith.constant 127 : i32
    %and3A_1590 = vector.broadcast %and3A_1589 : i32 to vector<16xi32>
    %and3A_1591 = arith.andi %get3A_1585, %and3A_1590 : vector<16xi32>
    tpu.vector_store_idx %arg5[%shift_right_logical3A_1588, %and3A_1591], %broadcast_in_dim3A_384 {add = true} : memref<8x128xf32, #tpu.memory_space<vmem>>[vector<16xi32>, vector<16xi32>], vector<16xf32>,
    %get3A_1592 = arith.constant 15 : i32
    %get3A_1593 = arith.index_cast %get3A_1592 : i32 to index
    %get3A_1594 = arith.constant 16 : index
    %get3A_1595 = tpu.vector_load %arg4[%get3A_1593, %get3A_1594] {strides = array<i32>} : memref<16x128xi32, #tpu.memory_space<vmem>>, vector<16xi32>,
    %shift_right_logical3A_1596 = arith.constant 7 : i32
    %shift_right_logical3A_1597 = vector.broadcast %shift_right_logical3A_1596 : i32 to vector<16xi32>
    %shift_right_logical3A_1598 = arith.shrui %get3A_1595, %shift_right_logical3A_1597 : vector<16xi32>
    %and3A_1599 = arith.constant 127 : i32
    %and3A_1600 = vector.broadcast %and3A_1599 : i32 to vector<16xi32>
    %and3A_1601 = arith.andi %get3A_1595, %and3A_1600 : vector<16xi32>
    tpu.vector_store_idx %arg5[%shift_right_logical3A_1598, %and3A_1601], %broadcast_in_dim3A_384 {add = true} : memref<8x128xf32, #tpu.memory_space<vmem>>[vector<16xi32>, vector<16xi32>], vector<16xf32>,
    %get3A_1602 = arith.constant 15 : i32
    %get3A_1603 = arith.index_cast %get3A_1602 : i32 to index
    %get3A_1604 = arith.constant 32 : index
    %get3A_1605 = tpu.vector_load %arg4[%get3A_1603, %get3A_1604] {strides = array<i32>} : memref<16x128xi32, #tpu.memory_space<vmem>>, vector<16xi32>,
    %shift_right_logical3A_1606 = arith.constant 7 : i32
    %shift_right_logical3A_1607 = vector.broadcast %shift_right_logical3A_1606 : i32 to vector<16xi32>
    %shift_right_logical3A_1608 = arith.shrui %get3A_1605, %shift_right_logical3A_1607 : vector<16xi32>
    %and3A_1609 = arith.constant 127 : i32
    %and3A_1610 = vector.broadcast %and3A_1609 : i32 to vector<16xi32>
    %and3A_1611 = arith.andi %get3A_1605, %and3A_1610 : vector<16xi32>
    tpu.vector_store_idx %arg5[%shift_right_logical3A_1608, %and3A_1611], %broadcast_in_dim3A_384 {add = true} : memref<8x128xf32, #tpu.memory_space<vmem>>[vector<16xi32>, vector<16xi32>], vector<16xf32>,
    %get3A_1612 = arith.constant 15 : i32
    %get3A_1613 = arith.index_cast %get3A_1612 : i32 to index
    %get3A_1614 = arith.constant 48 : index
    %get3A_1615 = tpu.vector_load %arg4[%get3A_1613, %get3A_1614] {strides = array<i32>} : memref<16x128xi32, #tpu.memory_space<vmem>>, vector<16xi32>,
    %shift_right_logical3A_1616 = arith.constant 7 : i32
    %shift_right_logical3A_1617 = vector.broadcast %shift_right_logical3A_1616 : i32 to vector<16xi32>
    %shift_right_logical3A_1618 = arith.shrui %get3A_1615, %shift_right_logical3A_1617 : vector<16xi32>
    %and3A_1619 = arith.constant 127 : i32
    %and3A_1620 = vector.broadcast %and3A_1619 : i32 to vector<16xi32>
    %and3A_1621 = arith.andi %get3A_1615, %and3A_1620 : vector<16xi32>
    tpu.vector_store_idx %arg5[%shift_right_logical3A_1618, %and3A_1621], %broadcast_in_dim3A_384 {add = true} : memref<8x128xf32, #tpu.memory_space<vmem>>[vector<16xi32>, vector<16xi32>], vector<16xf32>,
    %get3A_1622 = arith.constant 15 : i32
    %get3A_1623 = arith.index_cast %get3A_1622 : i32 to index
    %get3A_1624 = arith.constant 64 : index
    %get3A_1625 = tpu.vector_load %arg4[%get3A_1623, %get3A_1624] {strides = array<i32>} : memref<16x128xi32, #tpu.memory_space<vmem>>, vector<16xi32>,
    %shift_right_logical3A_1626 = arith.constant 7 : i32
    %shift_right_logical3A_1627 = vector.broadcast %shift_right_logical3A_1626 : i32 to vector<16xi32>
    %shift_right_logical3A_1628 = arith.shrui %get3A_1625, %shift_right_logical3A_1627 : vector<16xi32>
    %and3A_1629 = arith.constant 127 : i32
    %and3A_1630 = vector.broadcast %and3A_1629 : i32 to vector<16xi32>
    %and3A_1631 = arith.andi %get3A_1625, %and3A_1630 : vector<16xi32>
    tpu.vector_store_idx %arg5[%shift_right_logical3A_1628, %and3A_1631], %broadcast_in_dim3A_384 {add = true} : memref<8x128xf32, #tpu.memory_space<vmem>>[vector<16xi32>, vector<16xi32>], vector<16xf32>,
    %get3A_1632 = arith.constant 15 : i32
    %get3A_1633 = arith.index_cast %get3A_1632 : i32 to index
    %get3A_1634 = arith.constant 80 : index
    %get3A_1635 = tpu.vector_load %arg4[%get3A_1633, %get3A_1634] {strides = array<i32>} : memref<16x128xi32, #tpu.memory_space<vmem>>, vector<16xi32>,
    %shift_right_logical3A_1636 = arith.constant 7 : i32
    %shift_right_logical3A_1637 = vector.broadcast %shift_right_logical3A_1636 : i32 to vector<16xi32>
    %shift_right_logical3A_1638 = arith.shrui %get3A_1635, %shift_right_logical3A_1637 : vector<16xi32>
    %and3A_1639 = arith.constant 127 : i32
    %and3A_1640 = vector.broadcast %and3A_1639 : i32 to vector<16xi32>
    %and3A_1641 = arith.andi %get3A_1635, %and3A_1640 : vector<16xi32>
    tpu.vector_store_idx %arg5[%shift_right_logical3A_1638, %and3A_1641], %broadcast_in_dim3A_384 {add = true} : memref<8x128xf32, #tpu.memory_space<vmem>>[vector<16xi32>, vector<16xi32>], vector<16xf32>,
    %get3A_1642 = arith.constant 15 : i32
    %get3A_1643 = arith.index_cast %get3A_1642 : i32 to index
    %get3A_1644 = arith.constant 96 : index
    %get3A_1645 = tpu.vector_load %arg4[%get3A_1643, %get3A_1644] {strides = array<i32>} : memref<16x128xi32, #tpu.memory_space<vmem>>, vector<16xi32>,
    %shift_right_logical3A_1646 = arith.constant 7 : i32
    %shift_right_logical3A_1647 = vector.broadcast %shift_right_logical3A_1646 : i32 to vector<16xi32>
    %shift_right_logical3A_1648 = arith.shrui %get3A_1645, %shift_right_logical3A_1647 : vector<16xi32>
    %and3A_1649 = arith.constant 127 : i32
    %and3A_1650 = vector.broadcast %and3A_1649 : i32 to vector<16xi32>
    %and3A_1651 = arith.andi %get3A_1645, %and3A_1650 : vector<16xi32>
    tpu.vector_store_idx %arg5[%shift_right_logical3A_1648, %and3A_1651], %broadcast_in_dim3A_384 {add = true} : memref<8x128xf32, #tpu.memory_space<vmem>>[vector<16xi32>, vector<16xi32>], vector<16xf32>,
    %get3A_1652 = arith.constant 15 : i32
    %get3A_1653 = arith.index_cast %get3A_1652 : i32 to index
    %get3A_1654 = arith.constant 112 : index
    %get3A_1655 = tpu.vector_load %arg4[%get3A_1653, %get3A_1654] {strides = array<i32>} : memref<16x128xi32, #tpu.memory_space<vmem>>, vector<16xi32>,
    %shift_right_logical3A_1656 = arith.constant 7 : i32
    %shift_right_logical3A_1657 = vector.broadcast %shift_right_logical3A_1656 : i32 to vector<16xi32>
    %shift_right_logical3A_1658 = arith.shrui %get3A_1655, %shift_right_logical3A_1657 : vector<16xi32>
    %and3A_1659 = arith.constant 127 : i32
    %and3A_1660 = vector.broadcast %and3A_1659 : i32 to vector<16xi32>
    %and3A_1661 = arith.andi %get3A_1655, %and3A_1660 : vector<16xi32>
    tpu.vector_store_idx %arg5[%shift_right_logical3A_1658, %and3A_1661], %broadcast_in_dim3A_384 {add = true} : memref<8x128xf32, #tpu.memory_space<vmem>>[vector<16xi32>, vector<16xi32>], vector<16xf32>,
    "tpu.region"() ({
      %run_scoped3A = tpu.sem_alloc : memref<!tpu.dma_semaphore, #tpu.memory_space<semaphore_mem>>
      %dma_start3A = arith.constant 0 : i32
      %dma_start3A_1662 = arith.constant 0 : i32
      %dma_start3A_1663 = tpu.memref_slice %arg3[%add3A, %dma_start3A, %dma_start3A_1662] : memref<32x8x128xf32, #tpu.memory_space<hbm>> -> memref<1x8x128xf32, #tpu.memory_space<hbm>>
      %dma_start3A_1664 = tpu.memref_squeeze %dma_start3A_1663 : memref<1x8x128xf32, #tpu.memory_space<hbm>> -> memref<8x128xf32, #tpu.memory_space<hbm>>
      %dma_start3A_1665 = arith.constant 0 : i32
      %dma_start3A_1666 = arith.constant 0 : i32
      %dma_start3A_1667 = tpu.memref_slice %arg3[%add3A, %dma_start3A_1665, %dma_start3A_1666] : memref<32x8x128xf32, #tpu.memory_space<hbm>> -> memref<1x8x128xf32, #tpu.memory_space<hbm>>
      %dma_start3A_1668 = tpu.memref_squeeze %dma_start3A_1667 : memref<1x8x128xf32, #tpu.memory_space<hbm>> -> memref<8x128xf32, #tpu.memory_space<hbm>>
      tpu.enqueue_dma source(%arg5 : memref<8x128xf32, #tpu.memory_space<vmem>>) target(%dma_start3A_1668 : memref<8x128xf32, #tpu.memory_space<hbm>>) target_semaphore(%run_scoped3A : memref<!tpu.dma_semaphore, #tpu.memory_space<semaphore_mem>>)
      %dma_wait3A = arith.constant 0 : i32
      %dma_wait3A_1669 = arith.constant 0 : i32
      %dma_wait3A_1670 = tpu.memref_slice %arg3[%add3A, %dma_wait3A, %dma_wait3A_1669] : memref<32x8x128xf32, #tpu.memory_space<hbm>> -> memref<1x8x128xf32, #tpu.memory_space<hbm>>
      %dma_wait3A_1671 = tpu.memref_squeeze %dma_wait3A_1670 : memref<1x8x128xf32, #tpu.memory_space<hbm>> -> memref<8x128xf32, #tpu.memory_space<hbm>>
      %dma_wait3A_1672 = arith.constant 0 : i32
      %dma_wait3A_1673 = arith.constant 0 : i32
      %dma_wait3A_1674 = tpu.memref_slice %arg3[%add3A, %dma_wait3A_1672, %dma_wait3A_1673] : memref<32x8x128xf32, #tpu.memory_space<hbm>> -> memref<1x8x128xf32, #tpu.memory_space<hbm>>
      %dma_wait3A_1675 = tpu.memref_squeeze %dma_wait3A_1674 : memref<1x8x128xf32, #tpu.memory_space<hbm>> -> memref<8x128xf32, #tpu.memory_space<hbm>>
      tpu.wait_dma2 semaphore(%run_scoped3A : memref<!tpu.dma_semaphore, #tpu.memory_space<semaphore_mem>>) src(%arg5 : memref<8x128xf32, #tpu.memory_space<vmem>>) dst(%dma_wait3A_1675 : memref<8x128xf32, #tpu.memory_space<hbm>>)
      tpu.yield
    }) : () -> ()
    return
  }
}

module attributes {stable_mosaic.version = 14 : i64} {
  func.func @_tc_body(%arg0: i32, %arg1: memref<4x32x32x32xf32, #tpu.memory_space<vmem>>, %arg2: memref<32x1024xf32, #tpu.memory_space<vmem>>, %arg3: memref<4x32x32x32xf32, #tpu.memory_space<vmem>>, %arg4: memref<4x32x32xi32, #tpu.memory_space<vmem>>, %arg5: memref<2x16x128xi32, #tpu.memory_space<vmem>>, %arg6: memref<1x1xf32, #tpu.memory_space<vmem>>, %arg7: memref<1xf32, #tpu.memory_space<smem>>) attributes {dimension_semantics = [#tpu.dimension_semantics<arbitrary>], iteration_bounds = array<i64: 16>, scalar_prefetch = 0 : i64, scratch_operands = 1 : i64, tpu.core_type = #tpu.core_type<tc>, window_params = [{transform_indices = @transform_0, window_bounds = array<i64: 4, 32, 32, 32>}, {pipeline_mode = #tpu.pipeline_mode<synchronous>, transform_indices = @transform_1, window_bounds = array<i64: 32, 1024>}, {transform_indices = @transform_2, window_bounds = array<i64: 4, 32, 32, 32>}, {transform_indices = @transform_3, window_bounds = array<i64: 4, 32, 32>}, {transform_indices = @transform_4, window_bounds = array<i64: 2, 16, 128>}, {pipeline_mode = #tpu.pipeline_mode<synchronous>, transform_indices = @transform_5, window_bounds = array<i64: 1, 1>}]} {
    %eq3A = arith.constant 0 : i32
    %eq3A_0 = arith.cmpi eq, %arg0, %eq3A : i32
    %convert_element_type3A = arith.extui %eq3A_0 : i1 to i32
    %cond3A = arith.constant 0 : i32
    %cond3A_1 = arith.cmpi ne, %convert_element_type3A, %cond3A : i32
    scf.if %cond3A_1 {
      %swap3A_59 = arith.constant 0.000000e+00 : f32
      %swap3A_60 = arith.constant 0 : index
      %swap3A_61 = memref.load %arg7[%swap3A_60] : memref<1xf32, #tpu.memory_space<smem>>
      memref.store %swap3A_59, %arg7[%swap3A_60] : memref<1xf32, #tpu.memory_space<smem>>
    } else {
    }
    %get3A = arith.constant 0 : index
    %get3A_2 = arith.constant 0 : index
    %get3A_3 = arith.constant 0 : index
    %get3A_4 = arith.constant 0 : index
    %get3A_5 = vector.load %arg1[%get3A, %get3A_2, %get3A_3, %get3A_4] : memref<4x32x32x32xf32, #tpu.memory_space<vmem>>, vector<4x32x32x32xf32>
    %reshape3A = vector.shape_cast %get3A_5 : vector<4x32x32x32xf32> to vector<4096x32xf32>
    %get3A_6 = arith.constant 0 : index
    %get3A_7 = arith.constant 0 : index
    %get3A_8 = vector.load %arg2[%get3A_6, %get3A_7] : memref<32x1024xf32, #tpu.memory_space<vmem>>, vector<32x1024xf32>
    %dot_general3A = arith.constant dense<0.000000e+00> : vector<4096x1024xf32>
    %dot_general3A_9 = tpu.matmul %reshape3A, %get3A_8, %dot_general3A {dimension_numbers = #tpu.dot_dimension_numbers<[1], [0], [0], [1], [0, 0, 1, 1], [], []>, transpose_lhs_hint = false} : vector<4096x32xf32>, vector<32x1024xf32>, vector<4096x1024xf32> -> vector<4096x1024xf32>
    %mul3A = arith.mulf %reshape3A, %reshape3A : vector<4096x32xf32>
    %reduce_sum3A = arith.constant dense<0.000000e+00> : vector<4096xf32>
    %reduce_sum3A_10 = vector.multi_reduction <add>, %mul3A, %reduce_sum3A [1] : vector<4096x32xf32> to vector<4096xf32>
    %broadcast_in_dim3A = vector.shape_cast %reduce_sum3A_10 : vector<4096xf32> to vector<4096x1xf32>
    %mul3A_11 = arith.mulf %get3A_8, %get3A_8 : vector<32x1024xf32>
    %reduce_sum3A_12 = arith.constant dense<0.000000e+00> : vector<1024xf32>
    %reduce_sum3A_13 = vector.multi_reduction <add>, %mul3A_11, %reduce_sum3A_12 [0] : vector<32x1024xf32> to vector<1024xf32>
    %broadcast_in_dim3A_14 = vector.shape_cast %reduce_sum3A_13 : vector<1024xf32> to vector<1x1024xf32>
    %add3A = vector.broadcast %broadcast_in_dim3A : vector<4096x1xf32> to vector<4096x1024xf32>
    %add3A_15 = vector.broadcast %broadcast_in_dim3A_14 : vector<1x1024xf32> to vector<4096x1024xf32>
    %add3A_16 = arith.addf %add3A, %add3A_15 : vector<4096x1024xf32>
    %mul3A_17 = arith.constant 2.000000e+00 : f32
    %mul3A_18 = vector.broadcast %mul3A_17 : f32 to vector<4096x1024xf32>
    %mul3A_19 = arith.mulf %mul3A_18, %dot_general3A_9 : vector<4096x1024xf32>
    %sub3A = arith.subf %add3A_16, %mul3A_19 : vector<4096x1024xf32>
    %argmin3A = tpu.reduce_index %sub3A {axis = 1 : i32, kind = #tpu.reduction_kind<arg_min>} : vector<4096x1024xf32> -> vector<4096xi32>
    %reshape3A_20 = vector.shape_cast %argmin3A : vector<4096xi32> to vector<4x32x32xi32>
    %swap3A = arith.constant 0 : index
    %swap3A_21 = arith.constant 0 : index
    %swap3A_22 = arith.constant 0 : index
    %swap3A_23 = vector.load %arg4[%swap3A, %swap3A_21, %swap3A_22] : memref<4x32x32xi32, #tpu.memory_space<vmem>>, vector<4x32x32xi32>
    tpu.vector_store %arg4[%swap3A, %swap3A_21, %swap3A_22], %reshape3A_20 {strides = array<i32>} : memref<4x32x32xi32, #tpu.memory_space<vmem>>, vector<4x32x32xi32>,
    %reshape3A_24 = vector.shape_cast %argmin3A : vector<4096xi32> to vector<2x16x128xi32>
    %swap3A_25 = arith.constant 0 : index
    %swap3A_26 = arith.constant 0 : index
    %swap3A_27 = arith.constant 0 : index
    %swap3A_28 = vector.load %arg5[%swap3A_25, %swap3A_26, %swap3A_27] : memref<2x16x128xi32, #tpu.memory_space<vmem>>, vector<2x16x128xi32>
    tpu.vector_store %arg5[%swap3A_25, %swap3A_26, %swap3A_27], %reshape3A_24 {strides = array<i32>} : memref<2x16x128xi32, #tpu.memory_space<vmem>>, vector<2x16x128xi32>,
    %iota3A = tpu.iota {dimensions = array<i32: 1>} : vector<4096x1024xi32>
    %broadcast_in_dim3A_29 = vector.shape_cast %argmin3A : vector<4096xi32> to vector<4096x1xi32>
    %eq3A_30 = vector.broadcast %broadcast_in_dim3A_29 : vector<4096x1xi32> to vector<4096x1024xi32>
    %eq3A_31 = arith.cmpi eq, %iota3A, %eq3A_30 : vector<4096x1024xi32>
    %convert_element_type3A_32 = arith.extui %eq3A_31 : vector<4096x1024xi1> to vector<4096x1024xi32>
    %convert_element_type3A_33 = arith.sitofp %convert_element_type3A_32 : vector<4096x1024xi32> to vector<4096x1024xf32>
    %dot_general3A_34 = arith.constant dense<0.000000e+00> : vector<4096x32xf32>
    %dot_general3A_35 = tpu.matmul %convert_element_type3A_33, %get3A_8, %dot_general3A_34 {dimension_numbers = #tpu.dot_dimension_numbers<[1], [1], [0], [0], [0, 0, 1, 0], [], []>, transpose_lhs_hint = false} : vector<4096x1024xf32>, vector<32x1024xf32>, vector<4096x32xf32> -> vector<4096x32xf32>
    %reshape3A_36 = vector.shape_cast %dot_general3A_35 : vector<4096x32xf32> to vector<4x32x32x32xf32>
    %swap3A_37 = arith.constant 0 : index
    %swap3A_38 = arith.constant 0 : index
    %swap3A_39 = arith.constant 0 : index
    %swap3A_40 = arith.constant 0 : index
    %swap3A_41 = vector.load %arg3[%swap3A_37, %swap3A_38, %swap3A_39, %swap3A_40] : memref<4x32x32x32xf32, #tpu.memory_space<vmem>>, vector<4x32x32x32xf32>
    tpu.vector_store %arg3[%swap3A_37, %swap3A_38, %swap3A_39, %swap3A_40], %reshape3A_36 {strides = array<i32>} : memref<4x32x32x32xf32, #tpu.memory_space<vmem>>, vector<4x32x32x32xf32>,
    %sub3A_42 = arith.subf %dot_general3A_35, %reshape3A : vector<4096x32xf32>
    %get3A_43 = arith.constant 0 : index
    %get3A_44 = memref.load %arg7[%get3A_43] : memref<1xf32, #tpu.memory_space<smem>>
    %mul3A_45 = arith.mulf %sub3A_42, %sub3A_42 : vector<4096x32xf32>
    %reduce_sum3A_46 = vector.shape_cast %mul3A_45 : vector<4096x32xf32> to vector<1x4096x32xf32>
    %reduce_sum3A_47 = arith.constant dense<0.000000e+00> : vector<1xf32>
    %reduce_sum3A_48 = vector.multi_reduction <add>, %reduce_sum3A_46, %reduce_sum3A_47 [1, 2] : vector<1x4096x32xf32> to vector<1xf32>
    %reduce_sum3A_49 = vector.shape_cast %reduce_sum3A_48 : vector<1xf32> to vector<1x1x1xf32>
    %reduce_sum3A_50 = vector.extract %reduce_sum3A_49[0, 0, 0] : f32 from vector<1x1x1xf32>
    %add3A_51 = arith.addf %get3A_44, %reduce_sum3A_50 : f32
    %swap3A_52 = arith.constant 0 : index
    %swap3A_53 = memref.load %arg7[%swap3A_52] : memref<1xf32, #tpu.memory_space<smem>>
    memref.store %add3A_51, %arg7[%swap3A_52] : memref<1xf32, #tpu.memory_space<smem>>
    %eq3A_54 = arith.constant 15 : i32
    %eq3A_55 = arith.cmpi eq, %arg0, %eq3A_54 : i32
    %convert_element_type3A_56 = arith.extui %eq3A_55 : i1 to i32
    %cond3A_57 = arith.constant 0 : i32
    %cond3A_58 = arith.cmpi ne, %convert_element_type3A_56, %cond3A_57 : i32
    scf.if %cond3A_58 {
      %get3A_59 = arith.constant 0 : index
      %get3A_60 = memref.load %arg7[%get3A_59] : memref<1xf32, #tpu.memory_space<smem>>
      %mul3A_61 = arith.constant 2.86102295E-6 : f32
      %mul3A_62 = arith.mulf %mul3A_61, %get3A_60 : f32
      %broadcast_in_dim3A_63 = vector.broadcast %mul3A_62 : f32 to vector<1x1xf32>
      %swap3A_64 = arith.constant 0 : index
      %swap3A_65 = arith.constant 0 : index
      %swap3A_66 = vector.load %arg6[%swap3A_64, %swap3A_65] : memref<1x1xf32, #tpu.memory_space<vmem>>, vector<1x1xf32>
      tpu.vector_store %arg6[%swap3A_64, %swap3A_65], %broadcast_in_dim3A_63 {strides = array<i32>} : memref<1x1xf32, #tpu.memory_space<vmem>>, vector<1x1xf32>,
    } else {
    }
    return
  }
  func.func @transform_0(%arg0: i32) -> (i32, i32, i32, i32) {
    %c0_i32 = arith.constant 0 : i32
    %c0_i32_0 = arith.constant 0 : i32
    %c0_i32_1 = arith.constant 0 : i32
    %c0_i32_2 = arith.constant 0 : i32
    return %arg0, %c0_i32, %c0_i32_0, %c0_i32_1 : i32, i32, i32, i32
  }
  func.func @transform_1(%arg0: i32) -> (i32, i32) {
    %c0_i32 = arith.constant 0 : i32
    %c0_i32_0 = arith.constant 0 : i32
    %c0_i32_1 = arith.constant 0 : i32
    return %c0_i32, %c0_i32_0 : i32, i32
  }
  func.func @transform_2(%arg0: i32) -> (i32, i32, i32, i32) {
    %c0_i32 = arith.constant 0 : i32
    %c0_i32_0 = arith.constant 0 : i32
    %c0_i32_1 = arith.constant 0 : i32
    %c0_i32_2 = arith.constant 0 : i32
    return %arg0, %c0_i32, %c0_i32_0, %c0_i32_1 : i32, i32, i32, i32
  }
  func.func @transform_3(%arg0: i32) -> (i32, i32, i32) {
    %c0_i32 = arith.constant 0 : i32
    %c0_i32_0 = arith.constant 0 : i32
    %c0_i32_1 = arith.constant 0 : i32
    return %arg0, %c0_i32, %c0_i32_0 : i32, i32, i32
  }
  func.func @transform_4(%arg0: i32) -> (i32, i32, i32) {
    %c0_i32 = arith.constant 0 : i32
    %c0_i32_0 = arith.constant 0 : i32
    %c0_i32_1 = arith.constant 0 : i32
    return %arg0, %c0_i32, %c0_i32_0 : i32, i32, i32
  }
  func.func @transform_5(%arg0: i32) -> (i32, i32) {
    %c0_i32 = arith.constant 0 : i32
    %c0_i32_0 = arith.constant 0 : i32
    %c0_i32_1 = arith.constant 0 : i32
    return %c0_i32, %c0_i32_0 : i32, i32
  }
}

module attributes {stable_mosaic.version = 14 : i64} {
  func.func @_perp_body(%arg0: memref<32x8x128xf32, #tpu.memory_space<vmem>>, %arg1: memref<1x1xf32, #tpu.memory_space<vmem>>) attributes {dimension_semantics = [], scalar_prefetch = 0 : i64, scratch_operands = 0 : i64, tpu.core_type = #tpu.core_type<tc>} {
    %get3A = arith.constant 0 : index
    %get3A_0 = arith.constant 0 : index
    %get3A_1 = arith.constant 0 : index
    %get3A_2 = vector.load %arg0[%get3A, %get3A_0, %get3A_1] : memref<32x8x128xf32, #tpu.memory_space<vmem>>, vector<32x8x128xf32>
    %reduce_sum3A = arith.constant dense<0.000000e+00> : vector<8x128xf32>
    %reduce_sum3A_3 = vector.multi_reduction <add>, %get3A_2, %reduce_sum3A [0] : vector<32x8x128xf32> to vector<8x128xf32>
    %mul3A = arith.constant 1.52587891E-5 : f32
    %mul3A_4 = vector.broadcast %mul3A : f32 to vector<8x128xf32>
    %mul3A_5 = arith.mulf %reduce_sum3A_3, %mul3A_4 : vector<8x128xf32>
    %add3A = arith.constant 9.99999974E-6 : f32
    %add3A_6 = vector.broadcast %add3A : f32 to vector<8x128xf32>
    %add3A_7 = arith.addf %mul3A_5, %add3A_6 : vector<8x128xf32>
    %log3A = math.log %add3A_7 : vector<8x128xf32>
    %mul3A_8 = arith.mulf %mul3A_5, %log3A : vector<8x128xf32>
    %reduce_sum3A_9 = vector.shape_cast %mul3A_8 : vector<8x128xf32> to vector<1x8x128xf32>
    %reduce_sum3A_10 = arith.constant dense<0.000000e+00> : vector<1xf32>
    %reduce_sum3A_11 = vector.multi_reduction <add>, %reduce_sum3A_9, %reduce_sum3A_10 [1, 2] : vector<1x8x128xf32> to vector<1xf32>
    %reduce_sum3A_12 = vector.shape_cast %reduce_sum3A_11 : vector<1xf32> to vector<1x1x1xf32>
    %reduce_sum3A_13 = vector.extract %reduce_sum3A_12[0, 0, 0] : f32 from vector<1x1x1xf32>
    %broadcast_in_dim3A = vector.broadcast %reduce_sum3A_13 : f32 to vector<1x1xf32>
    %neg3A = arith.constant 0.000000e+00 : f32
    %neg3A_14 = vector.broadcast %neg3A : f32 to vector<1x1xf32>
    %neg3A_15 = arith.subf %neg3A_14, %broadcast_in_dim3A : vector<1x1xf32>
    %exp3A = math.exp %neg3A_15 : vector<1x1xf32>
    %swap3A = arith.constant 0 : index
    %swap3A_16 = arith.constant 0 : index
    %swap3A_17 = vector.load %arg1[%swap3A, %swap3A_16] : memref<1x1xf32, #tpu.memory_space<vmem>>, vector<1x1xf32>
    tpu.vector_store %arg1[%swap3A, %swap3A_16], %exp3A {strides = array<i32>} : memref<1x1xf32, #tpu.memory_space<vmem>>, vector<1x1xf32>,
    return
  }
}

</mosaic_0001>

<sc_bundles>
// kernel: kernel.5.cloned.1.call-start
scs
__scs_entry_jumppad:
0x0: {  	(pc) =	sbr.rel $0x88, $3  }
0x1: {  	(tag) =	ssettag $0x0;
	lr =	simm.s32 $0x1  }
0x2: {  	[smem:$0x3F9F] =	sst lr;
	_ =	strace $0xD0000000  }
0x3: {  	_ = 	snop  }
0x4: {  	_ = 	snop  }
0x5: {  	_ = 	snop  }
0x6: {  	_ = 	snop  }
0x7: {  	_ = 	snop  }
__scs_overlays_trampoline_lowered:
0x8: {  	[smem:$0x3FAE] =	sst s0  }
0x9: {  	[smem:$0x3FAF] =	sst s1  }
0xa: {  	[smem:$0x3FB0] =	sst s2  }
0xb: {  	[smem:$0x3FB1] =	sst s3  }
0xc: {  	[smem:$0x3FB2] =	sst s4  }
0xd: {  	[smem:$0x3FB3] =	sst s5  }
0xe: {  	[smem:$0x3FB4] =	sst s6  }
0xf: {  	[smem:$0x3FB5] =	sst s7  }
0x10: {  	[smem:$0x3FB6] =	sst s8  }
0x11: {  	[smem:$0x3FB7] =	sst s9;
	s0 =	simm.s32 @!p0 $0x0  }
0x12: {  	s1 =	sld [smem:$0x3F9D];
	s0 =	simm.s32 @p0 $0x1  }
0x13: {  	[smem:$0x3FB8] =	sst s0;
	s0 =	simm.s32 @!p1 $0x0  }
0x14: {  	s2 =	sld [smem:$0x3F9C];
	s0 =	simm.s32 @p1 $0x1  }
0x15: {  	[smem:$0x3FB9] =	sst s0;
	s0 =	simm.s32 @!p2 $0x0  }
0x16: {  	s3 =	sld [smem:$0x3FDB];
	s0 =	simm.s32 @p2 $0x1  }
0x17: {  	s4 =	simm.s32 $0x1BF5;
	[smem:$0x3FBB] =	sst s0  }
0x18: {  	s0 =	sld [smem:$0x3F9E];
	_ =	swait.ge [sflag:s4], $0x0  }
0x19: {  	s7 =	sld [smem:$0x3F9F]  }
0x1a: {  	s8 =	sadd.s32 $0xFFFFE003, lr  }
0x1b: {  	s9 =	sadd.s32 $0xFFFFFEF7, lr;
	s5 =	simm.s32 $0xFFFFFFFF;
	p2 =	slt.u32 s8, $0xFFFFF086  }
0x1c: {  	p1 =	slt.u32 s9, $0xF7A;
	s5 =	simm.s32 @!p2 $0x0  }
0x1d: {  	s5 =	simm.s32 @p1 $0x1;
	p0 =	seq.s32 s7, s2  }
0x1e: {  	s7 =	smul.u32 @!p0 $0xF7A, s2;
	p2 =	seq.s32 @!p0 s5, $0x0  }
0x1f: {  	s9 =	smul.u32 $0xF7A, s1;
	s8 =	simm.s32 @!p0 $0x1BF5;
	p2 =	por !p2, p0  }
0x20: {  	[sflag:s8] =	ssyncset.s32 @!p0 $0xFFFFF086;
	s6 =	sadd.s32 @!p0 s3, s7;
	s7 =	simm.s32 @!p0 $0x108  }
0x21: {  	s3 =	sadd.s32 s3, s9;
	s6 =	sadd.s32 @!p0 $0x88, s6;
	s7 =	simm.s32 @p2 $0x1082  }
0x22: {  	[simem:s7], [sflag:s8] =	dma.local @!p0 [hbm:s6], $0xF7A  }
0x23: {  	s9 =	sor.u32 $0xD0000000, s2;
	s6 =	simm.s32 $0x108;
	_ =	swait.ge @!p0 [sflag:s8], $0x0  }
0x24: {  	s3 =	sadd.s32 $0x88, s3;
	s6 =	simm.s32 @!p1 $0x1082;
	[sflag:s4] =	ssyncset.s32 $0xFFFFF086  }
0x25: {  	[simem:s6], [sflag:s4] =	dma.local [hbm:s3], $0xF7A  }
0x26: {  	[smem:$0x3F9F] =	sst s1;
	(tag) =	ssettag s2;
	_ =	strace s9  }
0x27: {  	s1 =	sld [smem:$0x3FAF]  }
0x28: {  	s2 =	sld [smem:$0x3FB0]  }
0x29: {  	s4 =	sld [smem:$0x3FB2]  }
0x2a: {  	p0 =	seq.s32 s5, $0x0;
	s5 =	sld [smem:$0x3FB3]  }
0x2b: {  	s6 =	sld [smem:$0x3FB4]  }
0x2c: {  	s7 =	sld [smem:$0x3FB5]  }
0x2d: {  	s3 =	simm.s32 $0x108;
	s8 =	sld [smem:$0x3FB6]  }
0x2e: {  	s3 =	simm.s32 @!p0 $0x1082;
	s9 =	sld [smem:$0x3FB7]  }
0x2f: {  	lr =	sadd.s32 s0, s3;
	s0 =	sld [smem:$0x3FAE]  }
0x30: {  	s3 =	sld [smem:$0x3FB1]  }
0x31: {  	[smem:$0x3FBA] =	sst s10  }
0x32: {  	s10 =	sld [smem:$0x3FB8];
	_ =	sdelay $0x3  }
0x33: {  	p0 =	seq.s32 s10, $0x1;
	s10 =	sld [smem:$0x3FBA];
	_ =	sdelay $0x3  }
0x34: {  	[smem:$0x3FBA] =	sst s10  }
0x35: {  	s10 =	sld [smem:$0x3FB9];
	_ =	sdelay $0x3  }
0x36: {  	p1 =	seq.s32 s10, $0x1;
	s10 =	sld [smem:$0x3FBA];
	_ =	sdelay $0x3  }
0x37: {  	[smem:$0x3FBA] =	sst s10  }
0x38: {  	s10 =	sld [smem:$0x3FBB]  }
0x39: {  	_ = 	snop;
	(pc) =	sbr.ind lr, $3  }
0x3a: {  	_ = 	snop  }
0x3b: {  	_ = 	snop  }
0x3c: {  	p2 =	seq.s32 s10, $0x1;
	s10 =	sld [smem:$0x3FBA]  }
0x3d: {  	_ =	shalt  }
0x3e: {  	_ =	shalt  }
0x3f: {  	_ =	shalt  }
0x40: {  	_ =	shalt  }
0x41: {  	_ =	shalt  }
0x42: {  	_ =	shalt  }
0x43: {  	_ =	shalt  }
0x44: {  	_ =	shalt  }
0x45: {  	_ =	shalt  }
0x46: {  	_ =	shalt  }
0x47: {  	_ =	shalt  }
0x48: {  	_ =	shalt  }
0x49: {  	_ =	shalt  }
0x4a: {  	_ =	shalt  }
0x4b: {  	_ =	shalt  }
0x4c: {  	_ =	shalt  }
0x4d: {  	_ =	shalt  }
0x4e: {  	_ =	shalt  }
0x4f: {  	_ =	shalt  }
0x50: {  	_ =	shalt  }
0x51: {  	_ =	shalt  }
0x52: {  	_ =	shalt  }
0x53: {  	_ =	shalt  }
0x54: {  	_ =	shalt  }
0x55: {  	_ =	shalt  }
0x56: {  	_ =	shalt  }
0x57: {  	_ =	shalt  }
0x58: {  	_ =	shalt  }
0x59: {  	_ =	shalt  }
0x5a: {  	_ =	shalt  }
0x5b: {  	_ =	shalt  }
0x5c: {  	_ =	shalt  }
0x5d: {  	_ =	shalt  }
0x5e: {  	_ =	shalt  }
0x5f: {  	_ =	shalt  }
0x60: {  	_ =	shalt  }
0x61: {  	_ =	shalt  }
0x62: {  	_ =	shalt  }
0x63: {  	_ =	shalt  }
0x64: {  	_ =	shalt  }
0x65: {  	_ =	shalt  }
0x66: {  	_ =	shalt  }
0x67: {  	_ =	shalt  }
0x68: {  	_ =	shalt  }
0x69: {  	_ =	shalt  }
0x6a: {  	_ =	shalt  }
0x6b: {  	_ =	shalt  }
0x6c: {  	_ =	shalt  }
0x6d: {  	_ =	shalt  }
0x6e: {  	_ =	shalt  }
0x6f: {  	_ =	shalt  }
0x70: {  	_ =	shalt  }
0x71: {  	_ =	shalt  }
0x72: {  	_ =	shalt  }
0x73: {  	_ =	shalt  }
0x74: {  	_ =	shalt  }
0x75: {  	_ =	shalt  }
0x76: {  	_ =	shalt  }
0x77: {  	_ =	shalt  }
0x78: {  	_ =	shalt  }
0x79: {  	_ =	shalt  }
0x7a: {  	_ =	shalt  }
0x7b: {  	_ =	shalt  }
0x7c: {  	_ =	shalt  }
0x7d: {  	_ =	shalt  }
0x7e: {  	_ =	shalt  }
0x7f: {  	_ =	shalt  }
0x80: {  	_ =	shalt  }
0x81: {  	_ =	shalt  }
0x82: {  	_ =	shalt  }
0x83: {  	_ =	shalt  }
0x84: {  	_ =	shalt  }
0x85: {  	_ =	shalt  }
0x86: {  	_ =	shalt  }
0x87: {  	_ =	shalt  }
.Lfunc_end0:
.L_simem_size_0:
called_computation_lowered:
.L_overlay_start_0:
0x88: {  	s2 =	sld [smem:$0x3FD9]  }
0x89: {  	s3 =	sld [smem:$0x3FFE];
	_ =	sdelay $0x1  }
0x8a: {  	s1 =	srdreg.scid  }
0x8b: {  	s0 =	sand.u32 $0x1, s1  }
0x8c: {  	s16 =	sshll.u32 s0, $0xA;
	s2 =	sadd.s32 s3, s2  }
0x8d: {  	s2 =	sadd.s32 s2, s16  }
0x8e: {  	[smem:$0x3FC6] =	sst s2  }
0x8f: {  	_ = 	snop  }
0x90: {  	(tm) =	ssettm $0x1  }
0x91: {  	s17 =	sld [smem:$0x3FFB];
	_ =	sdelay $0x3  }
0x92: {  	_ =	strace s17  }
0x93: {  	s2 =	sld [smem:$0x3FFC];
	_ =	sdelay $0x3  }
0x94: {  	_ =	strace s2  }
0x95: {  	s2 =	sld [smem:$0x3FFD];
	_ =	sdelay $0x3  }
0x96: {  	_ =	strace s2  }
0x97: {  	_ =	strace $0x8FFFFFFF  }
0x98: {  	s18 =	sld [smem:$0x3FDB];
	_ =	sdelay $0x1  }
0x99: {  	s19 =	simm.s32 $_scs_section_size  }
0x9a: {  	s4 =	simm.s32 $_size__tile_overlayer_lowered;
	s5 =	simm.s32 $_tile_overlayer_lowered  }
0x9b: {  	s22 =	simm.s32 $0x1BFF;
	s21 =	sshll.u32 s5, $0x1;
	s2 =	sadd.s32 s19, s18  }
0x9c: {  	s6 =	simm.s32 $0x0;
	s20 =	sshll.u32 s4, $0x1;
	s4 =	sadd.s32 s21, s2  }
0x9d: {  	[timem:s6], [sflag:s22] =	dma.local [hbm:s4], s20  }
0x9e: {  	_ =	swait.ge [sflag:s22], s20  }
0x9f: {  	s3 =	ssub.s32 $0x0, s20;
	[sflag:s22] =	ssyncset.done $0x0  }
0xa0: {  	[sflag:s22] =	ssyncadd.s32 s3;
	_ =	sdelay $0x1  }
0xa1: {  	s23 =	simm.s32 $0x1B8B  }
0xa2: {  	_ =	swait.ge [sflag:s23], $0x1  }
0xa3: {  	[sflag:s23] =	ssyncset.done $0x0  }
0xa4: {  	s25 =	simm.s32 $0x1B8E;
	s24 =	sld [smem:$0x3FFE];
	[sflag:s23] =	ssyncadd.s32 $0xFFFFFFFF  }
0xa5: {  	s26 =	simm.s32 $execute0_lowered;
	[smem:$0x3FD2] =	sst s25  }
0xa6: {  	s4 =	sshll.u32 s26, $0x1;
	_ =	strace $0x80000046;
	[dreg:$0x1] =	wrdreg $0xFFFFFFFF  }
0xa7: {  	s28 =	simm.s32 $_size_execute0_lowered;
	s2 =	sadd.s32 s2, s4;
	[dreg:$0x0] =	wrdreg $0x0  }
0xa8: {  	s4 =	sshll.u32 s28, $0x1;
	[dreg:$0x2] =	wrdreg s2  }
0xa9: {  	[dreg:$0x3] =	wrdreg s4  }
0xaa: {  	[dreg:$0x4] =	wrdreg $0xC0  }
0xab: {  	_ =	task [dreg:s6], $0x5FFFF  }
0xac: {  	[dreg:$0x1] =	wrdreg $0xFFFFFFFF  }
0xad: {  	[dreg:$0x0] =	wrdreg $0x60  }
0xae: {  	[dreg:$0x2] =	wrdreg s24  }
0xaf: {  	[dreg:$0x3] =	wrdreg $0x9  }
0xb0: {  	_ =	task.clear_ibuf [dreg:s6], $0x4FFFF;
	_ =	strace $0x90000046  }
0xb1: {  	s29 =	simm.s32 $0x9;
	_ =	strace $0x80000048  }
0xb2: {  	_ =	swait.ge [sflag:s29], $0x1  }
0xb3: {  	[sflag:s29] =	ssyncadd.s32 $0xFFFFFFFF  }
0xb4: {  	_ =	strace $0x90000048  }
0xb5: {  	_ =	sfence  }
0xb6: {  	s30 =	sld [smem:$0x0];
	_ =	sdelay $0x2  }
0xb7: {  	s31 =	sshll.u32 s1, $0xD;
	s1 =	sshrl.u32 s1, $0x2  }
0xb8: {  	s3 =	sand.u32 $0x4000, s31;
	s1 =	sadd.s32 s1, s30  }
0xb9: {  	s0 =	sor.u32 s3, s0;
	s1 =	sshll.u32 s1, $0x11  }
0xba: {  	s0 =	sor.u32 s1, s0  }
0xbb: {  	s0 =	sadd.s32 $0x8F2B, s0  }
0xbc: {  	[sflag:s0] =	ssyncadd.remote.s32 $0x1  }
0xbd: {  	_ =	sfence.sel $0xFFFF  }
0xbe: {  	[dreg:$0x0] =	wrdreg $0xFFFFFFFF;
	(pc) =	sbr.abs _section_cstart, $3  }
0xbf: {  	[dreg:$0x1] =	wrdreg $0xFFFFFFFF  }
0xc0: {  	_ =	task.clear_ibuf [dreg:s6], $0x2FFFF;
	_ =	strace $0x9FFFFFFF  }
0xc1: {  	(tm) =	ssettm $0x7FFFFFFF  }
tec
execute0_lowered:
.L_overlay_start_1:
0x0: {  	(tag) =	ssettag $0x1  }
0x1: {  	s3 =	rddreg [dreg:$0x0]  }
0x2: {  	s2 =	simm.s32 $0x0;
	s4 =	srdreg.scid;
	s1 =	stileid.u32  }
0x3: {  	[smem:$0x7FF] =	sst s2;
	s4 =	sand.u32 $0x1, s4;
	s5 =	sshll.u32 s1, $0x1  }
0x4: {  	s0 =	rddreg [dreg:$0x1];
	_ =	strace $0x80000047;
	s5 =	sor.u32 s4, s5  }
0x5: {  	s4 =	ssub.s32 $0x2, s4;
	s6 =	sshll.u32 s5, $0x8;
	s5 =	sshll.u32 s5, $0x7  }
0x6: {  	s31 =	sshrl.u32 s4, $0x1;
	s6 =	sadd.s32 s6, s3;
	s5 =	sadd.s32 s5, s3  }
0x7: {  	s7 =	ssub.s32 s4, s31;
	s3 =	sadd.s32 $0xC00, s6;
	s4 =	sadd.s32 $0x2C00, s5  }
0x8: {  	v0 =	vimm.f32 $0.0e+00;
	v1 =	vimm.f32 $1.000000000e+00;
	s5 =	smax.u32 s7, $0x1;
	s6 =	simm.s32 $0x1;
	s7 =	simm.s32 $0x800  }
.LBB2_1:
0x9: {  	[tilespmem:s2], [sflag:$0x1] =	stream.linear.gather [hbm4b:s3+s2], $0x800, $0x38;
	[tilespmem:$0xC00] =	vst v63  }
0xa: {  	_ =	swait.ge [sflag:s6], $0x800  }
0xb: {  	[sflag:s6] =	ssyncset.done $0x0  }
0xc: {  	[sflag:s6] =	ssyncadd.s32 $0xFFFFF800  }
0xd: {  	[tilespmem:$0x800] =	vst v0  }
0xe: {  	[tilespmem:$0x810] =	vst v0  }
0xf: {  	[tilespmem:$0x820] =	vst v0  }
0x10: {  	[tilespmem:$0x830] =	vst v0  }
0x11: {  	[tilespmem:$0x840] =	vst v0  }
0x12: {  	[tilespmem:$0x850] =	vst v0  }
0x13: {  	[tilespmem:$0x860] =	vst v0  }
0x14: {  	[tilespmem:$0x870] =	vst v0  }
0x15: {  	[tilespmem:$0x880] =	vst v0  }
0x16: {  	[tilespmem:$0x890] =	vst v0  }
0x17: {  	[tilespmem:$0x8A0] =	vst v0  }
0x18: {  	[tilespmem:$0x8B0] =	vst v0  }
0x19: {  	[tilespmem:$0x8C0] =	vst v0  }
0x1a: {  	[tilespmem:$0x8D0] =	vst v0  }
0x1b: {  	[tilespmem:$0x8E0] =	vst v0  }
0x1c: {  	[tilespmem:$0x8F0] =	vst v0  }
0x1d: {  	[tilespmem:$0x900] =	vst v0  }
0x1e: {  	[tilespmem:$0x910] =	vst v0  }
0x1f: {  	[tilespmem:$0x920] =	vst v0  }
0x20: {  	[tilespmem:$0x930] =	vst v0  }
0x21: {  	[tilespmem:$0x940] =	vst v0  }
0x22: {  	[tilespmem:$0x950] =	vst v0  }
0x23: {  	[tilespmem:$0x960] =	vst v0  }
0x24: {  	[tilespmem:$0x970] =	vst v0  }
0x25: {  	[tilespmem:$0x980] =	vst v0  }
0x26: {  	[tilespmem:$0x990] =	vst v0  }
0x27: {  	[tilespmem:$0x9A0] =	vst v0  }
0x28: {  	[tilespmem:$0x9B0] =	vst v0  }
0x29: {  	[tilespmem:$0x9C0] =	vst v0  }
0x2a: {  	[tilespmem:$0x9D0] =	vst v0  }
0x2b: {  	[tilespmem:$0x9E0] =	vst v0  }
0x2c: {  	[tilespmem:$0x9F0] =	vst v0  }
0x2d: {  	[tilespmem:$0xA00] =	vst v0  }
0x2e: {  	[tilespmem:$0xA10] =	vst v0  }
0x2f: {  	[tilespmem:$0xA20] =	vst v0  }
0x30: {  	[tilespmem:$0xA30] =	vst v0  }
0x31: {  	[tilespmem:$0xA40] =	vst v0  }
0x32: {  	[tilespmem:$0xA50] =	vst v0  }
0x33: {  	[tilespmem:$0xA60] =	vst v0  }
0x34: {  	[tilespmem:$0xA70] =	vst v0  }
0x35: {  	[tilespmem:$0xA80] =	vst v0  }
0x36: {  	[tilespmem:$0xA90] =	vst v0  }
0x37: {  	[tilespmem:$0xAA0] =	vst v0  }
0x38: {  	[tilespmem:$0xAB0] =	vst v0  }
0x39: {  	[tilespmem:$0xAC0] =	vst v0  }
0x3a: {  	[tilespmem:$0xAD0] =	vst v0  }
0x3b: {  	[tilespmem:$0xAE0] =	vst v0  }
0x3c: {  	[tilespmem:$0xAF0] =	vst v0  }
0x3d: {  	[tilespmem:$0xB00] =	vst v0  }
0x3e: {  	[tilespmem:$0xB10] =	vst v0  }
0x3f: {  	[tilespmem:$0xB20] =	vst v0  }
0x40: {  	[tilespmem:$0xB30] =	vst v0  }
0x41: {  	[tilespmem:$0xB40] =	vst v0  }
0x42: {  	[tilespmem:$0xB50] =	vst v0  }
0x43: {  	[tilespmem:$0xB60] =	vst v0  }
0x44: {  	[tilespmem:$0xB70] =	vst v0  }
0x45: {  	[tilespmem:$0xB80] =	vst v0;
	v2 =	vld [tilespmem:$0x0]  }
0x46: {  	[tilespmem:$0xB90] =	vst v0  }
0x47: {  	[tilespmem:$0xBA0] =	vst v0  }
0x48: {  	[tilespmem:$0xBB0] =	vst v0  }
0x49: {  	[tilespmem:$0xBC0] =	vst v0  }
0x4a: {  	[tilespmem:$0xBD0] =	vst v0  }
0x4b: {  	[tilespmem:$0xBE0] =	vst v0  }
0x4c: {  	[tilespmem:$0xBF0] =	vst v0  }
0x4d: {  	[tilespmem:v2+s7+$0x0] =	vst.idx.add.f32.msk $0xffff, v1  }
0x4e: {  	v2 =	vld [tilespmem:$0x10];
	_ =	sdelay $0x7  }
0x4f: {  	[tilespmem:v2+s7+$0x0] =	vst.idx.add.f32.msk $0xffff, v1  }
0x50: {  	v2 =	vld [tilespmem:$0x20];
	_ =	sdelay $0x7  }
0x51: {  	[tilespmem:v2+s7+$0x0] =	vst.idx.add.f32.msk $0xffff, v1  }
0x52: {  	v2 =	vld [tilespmem:$0x30];
	_ =	sdelay $0x7  }
0x53: {  	[tilespmem:v2+s7+$0x0] =	vst.idx.add.f32.msk $0xffff, v1  }
0x54: {  	v2 =	vld [tilespmem:$0x40];
	_ =	sdelay $0x7  }
0x55: {  	[tilespmem:v2+s7+$0x0] =	vst.idx.add.f32.msk $0xffff, v1  }
0x56: {  	v2 =	vld [tilespmem:$0x50];
	_ =	sdelay $0x7  }
0x57: {  	[tilespmem:v2+s7+$0x0] =	vst.idx.add.f32.msk $0xffff, v1  }
0x58: {  	v2 =	vld [tilespmem:$0x60];
	_ =	sdelay $0x7  }
0x59: {  	[tilespmem:v2+s7+$0x0] =	vst.idx.add.f32.msk $0xffff, v1  }
0x5a: {  	v2 =	vld [tilespmem:$0x70];
	_ =	sdelay $0x7  }
0x5b: {  	[tilespmem:v2+s7+$0x0] =	vst.idx.add.f32.msk $0xffff, v1  }
0x5c: {  	v2 =	vld [tilespmem:$0x80];
	_ =	sdelay $0x7  }
0x5d: {  	[tilespmem:v2+s7+$0x0] =	vst.idx.add.f32.msk $0xffff, v1  }
0x5e: {  	v2 =	vld [tilespmem:$0x90];
	_ =	sdelay $0x7  }
0x5f: {  	[tilespmem:v2+s7+$0x0] =	vst.idx.add.f32.msk $0xffff, v1  }
0x60: {  	v2 =	vld [tilespmem:$0xA0];
	_ =	sdelay $0x7  }
0x61: {  	[tilespmem:v2+s7+$0x0] =	vst.idx.add.f32.msk $0xffff, v1  }
0x62: {  	v2 =	vld [tilespmem:$0xB0];
	_ =	sdelay $0x7  }
0x63: {  	[tilespmem:v2+s7+$0x0] =	vst.idx.add.f32.msk $0xffff, v1  }
0x64: {  	v2 =	vld [tilespmem:$0xC0];
	_ =	sdelay $0x7  }
0x65: {  	[tilespmem:v2+s7+$0x0] =	vst.idx.add.f32.msk $0xffff, v1  }
0x66: {  	v2 =	vld [tilespmem:$0xD0];
	_ =	sdelay $0x7  }
0x67: {  	[tilespmem:v2+s7+$0x0] =	vst.idx.add.f32.msk $0xffff, v1  }
0x68: {  	v2 =	vld [tilespmem:$0xE0];
	_ =	sdelay $0x7  }
0x69: {  	[tilespmem:v2+s7+$0x0] =	vst.idx.add.f32.msk $0xffff, v1  }
0x6a: {  	v2 =	vld [tilespmem:$0xF0];
	_ =	sdelay $0x7  }
0x6b: {  	[tilespmem:v2+s7+$0x0] =	vst.idx.add.f32.msk $0xffff, v1  }
0x6c: {  	v2 =	vld [tilespmem:$0x100];
	_ =	sdelay $0x7  }
0x6d: {  	[tilespmem:v2+s7+$0x0] =	vst.idx.add.f32.msk $0xffff, v1  }
0x6e: {  	v2 =	vld [tilespmem:$0x110];
	_ =	sdelay $0x7  }
0x6f: {  	[tilespmem:v2+s7+$0x0] =	vst.idx.add.f32.msk $0xffff, v1  }
0x70: {  	v2 =	vld [tilespmem:$0x120];
	_ =	sdelay $0x7  }
0x71: {  	[tilespmem:v2+s7+$0x0] =	vst.idx.add.f32.msk $0xffff, v1  }
0x72: {  	v2 =	vld [tilespmem:$0x130];
	_ =	sdelay $0x7  }
0x73: {  	[tilespmem:v2+s7+$0x0] =	vst.idx.add.f32.msk $0xffff, v1  }
0x74: {  	v2 =	vld [tilespmem:$0x140];
	_ =	sdelay $0x7  }
0x75: {  	[tilespmem:v2+s7+$0x0] =	vst.idx.add.f32.msk $0xffff, v1  }
0x76: {  	v2 =	vld [tilespmem:$0x150];
	_ =	sdelay $0x7  }
0x77: {  	[tilespmem:v2+s7+$0x0] =	vst.idx.add.f32.msk $0xffff, v1  }
0x78: {  	v2 =	vld [tilespmem:$0x160];
	_ =	sdelay $0x7  }
0x79: {  	[tilespmem:v2+s7+$0x0] =	vst.idx.add.f32.msk $0xffff, v1  }
0x7a: {  	v2 =	vld [tilespmem:$0x170];
	_ =	sdelay $0x7  }
0x7b: {  	[tilespmem:v2+s7+$0x0] =	vst.idx.add.f32.msk $0xffff, v1  }
0x7c: {  	v2 =	vld [tilespmem:$0x180];
	_ =	sdelay $0x7  }
0x7d: {  	[tilespmem:v2+s7+$0x0] =	vst.idx.add.f32.msk $0xffff, v1  }
0x7e: {  	v2 =	vld [tilespmem:$0x190];
	_ =	sdelay $0x7  }
0x7f: {  	[tilespmem:v2+s7+$0x0] =	vst.idx.add.f32.msk $0xffff, v1  }
0x80: {  	v2 =	vld [tilespmem:$0x1A0];
	_ =	sdelay $0x7  }
0x81: {  	[tilespmem:v2+s7+$0x0] =	vst.idx.add.f32.msk $0xffff, v1  }
0x82: {  	v2 =	vld [tilespmem:$0x1B0];
	_ =	sdelay $0x7  }
0x83: {  	[tilespmem:v2+s7+$0x0] =	vst.idx.add.f32.msk $0xffff, v1  }
0x84: {  	v2 =	vld [tilespmem:$0x1C0];
	_ =	sdelay $0x7  }
0x85: {  	[tilespmem:v2+s7+$0x0] =	vst.idx.add.f32.msk $0xffff, v1  }
0x86: {  	v2 =	vld [tilespmem:$0x1D0];
	_ =	sdelay $0x7  }
0x87: {  	[tilespmem:v2+s7+$0x0] =	vst.idx.add.f32.msk $0xffff, v1  }
0x88: {  	v2 =	vld [tilespmem:$0x1E0];
	_ =	sdelay $0x7  }
0x89: {  	[tilespmem:v2+s7+$0x0] =	vst.idx.add.f32.msk $0xffff, v1  }
0x8a: {  	v2 =	vld [tilespmem:$0x1F0];
	_ =	sdelay $0x7  }
0x8b: {  	[tilespmem:v2+s7+$0x0] =	vst.idx.add.f32.msk $0xffff, v1  }
0x8c: {  	v2 =	vld [tilespmem:$0x200];
	_ =	sdelay $0x7  }
0x8d: {  	[tilespmem:v2+s7+$0x0] =	vst.idx.add.f32.msk $0xffff, v1  }
0x8e: {  	v2 =	vld [tilespmem:$0x210];
	_ =	sdelay $0x7  }
0x8f: {  	[tilespmem:v2+s7+$0x0] =	vst.idx.add.f32.msk $0xffff, v1  }
0x90: {  	v2 =	vld [tilespmem:$0x220];
	_ =	sdelay $0x7  }
0x91: {  	[tilespmem:v2+s7+$0x0] =	vst.idx.add.f32.msk $0xffff, v1  }
0x92: {  	v2 =	vld [tilespmem:$0x230];
	_ =	sdelay $0x7  }
0x93: {  	[tilespmem:v2+s7+$0x0] =	vst.idx.add.f32.msk $0xffff, v1  }
0x94: {  	v2 =	vld [tilespmem:$0x240];
	_ =	sdelay $0x7  }
0x95: {  	[tilespmem:v2+s7+$0x0] =	vst.idx.add.f32.msk $0xffff, v1  }
0x96: {  	v2 =	vld [tilespmem:$0x250];
	_ =	sdelay $0x7  }
0x97: {  	[tilespmem:v2+s7+$0x0] =	vst.idx.add.f32.msk $0xffff, v1  }
0x98: {  	v2 =	vld [tilespmem:$0x260];
	_ =	sdelay $0x7  }
0x99: {  	[tilespmem:v2+s7+$0x0] =	vst.idx.add.f32.msk $0xffff, v1  }
0x9a: {  	v2 =	vld [tilespmem:$0x270];
	_ =	sdelay $0x7  }
0x9b: {  	[tilespmem:v2+s7+$0x0] =	vst.idx.add.f32.msk $0xffff, v1  }
0x9c: {  	v2 =	vld [tilespmem:$0x280];
	_ =	sdelay $0x7  }
0x9d: {  	[tilespmem:v2+s7+$0x0] =	vst.idx.add.f32.msk $0xffff, v1  }
0x9e: {  	v2 =	vld [tilespmem:$0x290];
	_ =	sdelay $0x7  }
0x9f: {  	[tilespmem:v2+s7+$0x0] =	vst.idx.add.f32.msk $0xffff, v1  }
0xa0: {  	v2 =	vld [tilespmem:$0x2A0];
	_ =	sdelay $0x7  }
0xa1: {  	[tilespmem:v2+s7+$0x0] =	vst.idx.add.f32.msk $0xffff, v1  }
0xa2: {  	v2 =	vld [tilespmem:$0x2B0];
	_ =	sdelay $0x7  }
0xa3: {  	[tilespmem:v2+s7+$0x0] =	vst.idx.add.f32.msk $0xffff, v1  }
0xa4: {  	v2 =	vld [tilespmem:$0x2C0];
	_ =	sdelay $0x7  }
0xa5: {  	[tilespmem:v2+s7+$0x0] =	vst.idx.add.f32.msk $0xffff, v1  }
0xa6: {  	v2 =	vld [tilespmem:$0x2D0];
	_ =	sdelay $0x7  }
0xa7: {  	[tilespmem:v2+s7+$0x0] =	vst.idx.add.f32.msk $0xffff, v1  }
0xa8: {  	v2 =	vld [tilespmem:$0x2E0];
	_ =	sdelay $0x7  }
0xa9: {  	[tilespmem:v2+s7+$0x0] =	vst.idx.add.f32.msk $0xffff, v1  }
0xaa: {  	v2 =	vld [tilespmem:$0x2F0];
	_ =	sdelay $0x7  }
0xab: {  	[tilespmem:v2+s7+$0x0] =	vst.idx.add.f32.msk $0xffff, v1  }
0xac: {  	v2 =	vld [tilespmem:$0x300];
	_ =	sdelay $0x7  }
0xad: {  	[tilespmem:v2+s7+$0x0] =	vst.idx.add.f32.msk $0xffff, v1  }
0xae: {  	v2 =	vld [tilespmem:$0x310];
	_ =	sdelay $0x7  }
0xaf: {  	[tilespmem:v2+s7+$0x0] =	vst.idx.add.f32.msk $0xffff, v1  }
0xb0: {  	v2 =	vld [tilespmem:$0x320];
	_ =	sdelay $0x7  }
0xb1: {  	[tilespmem:v2+s7+$0x0] =	vst.idx.add.f32.msk $0xffff, v1  }
0xb2: {  	v2 =	vld [tilespmem:$0x330];
	_ =	sdelay $0x7  }
0xb3: {  	[tilespmem:v2+s7+$0x0] =	vst.idx.add.f32.msk $0xffff, v1  }
0xb4: {  	v2 =	vld [tilespmem:$0x340];
	_ =	sdelay $0x7  }
0xb5: {  	[tilespmem:v2+s7+$0x0] =	vst.idx.add.f32.msk $0xffff, v1  }
0xb6: {  	v2 =	vld [tilespmem:$0x350];
	_ =	sdelay $0x7  }
0xb7: {  	[tilespmem:v2+s7+$0x0] =	vst.idx.add.f32.msk $0xffff, v1  }
0xb8: {  	v2 =	vld [tilespmem:$0x360];
	_ =	sdelay $0x7  }
0xb9: {  	[tilespmem:v2+s7+$0x0] =	vst.idx.add.f32.msk $0xffff, v1  }
0xba: {  	v2 =	vld [tilespmem:$0x370];
	_ =	sdelay $0x7  }
0xbb: {  	[tilespmem:v2+s7+$0x0] =	vst.idx.add.f32.msk $0xffff, v1  }
0xbc: {  	v2 =	vld [tilespmem:$0x380];
	_ =	sdelay $0x7  }
0xbd: {  	[tilespmem:v2+s7+$0x0] =	vst.idx.add.f32.msk $0xffff, v1  }
0xbe: {  	v2 =	vld [tilespmem:$0x390];
	_ =	sdelay $0x7  }
0xbf: {  	[tilespmem:v2+s7+$0x0] =	vst.idx.add.f32.msk $0xffff, v1  }
0xc0: {  	v2 =	vld [tilespmem:$0x3A0];
	_ =	sdelay $0x7  }
0xc1: {  	[tilespmem:v2+s7+$0x0] =	vst.idx.add.f32.msk $0xffff, v1  }
0xc2: {  	v2 =	vld [tilespmem:$0x3B0];
	_ =	sdelay $0x7  }
0xc3: {  	[tilespmem:v2+s7+$0x0] =	vst.idx.add.f32.msk $0xffff, v1  }
0xc4: {  	v2 =	vld [tilespmem:$0x3C0];
	_ =	sdelay $0x7  }
0xc5: {  	[tilespmem:v2+s7+$0x0] =	vst.idx.add.f32.msk $0xffff, v1  }
0xc6: {  	v2 =	vld [tilespmem:$0x3D0];
	_ =	sdelay $0x7  }
0xc7: {  	[tilespmem:v2+s7+$0x0] =	vst.idx.add.f32.msk $0xffff, v1  }
0xc8: {  	v2 =	vld [tilespmem:$0x3E0];
	_ =	sdelay $0x7  }
0xc9: {  	[tilespmem:v2+s7+$0x0] =	vst.idx.add.f32.msk $0xffff, v1  }
0xca: {  	v2 =	vld [tilespmem:$0x3F0];
	_ =	sdelay $0x7  }
0xcb: {  	[tilespmem:v2+s7+$0x0] =	vst.idx.add.f32.msk $0xffff, v1  }
0xcc: {  	v2 =	vld [tilespmem:$0x400];
	_ =	sdelay $0x7  }
0xcd: {  	[tilespmem:v2+s7+$0x0] =	vst.idx.add.f32.msk $0xffff, v1  }
0xce: {  	v2 =	vld [tilespmem:$0x410];
	_ =	sdelay $0x7  }
0xcf: {  	[tilespmem:v2+s7+$0x0] =	vst.idx.add.f32.msk $0xffff, v1  }
0xd0: {  	v2 =	vld [tilespmem:$0x420];
	_ =	sdelay $0x7  }
0xd1: {  	[tilespmem:v2+s7+$0x0] =	vst.idx.add.f32.msk $0xffff, v1  }
0xd2: {  	v2 =	vld [tilespmem:$0x430];
	_ =	sdelay $0x7  }
0xd3: {  	[tilespmem:v2+s7+$0x0] =	vst.idx.add.f32.msk $0xffff, v1  }
0xd4: {  	v2 =	vld [tilespmem:$0x440];
	_ =	sdelay $0x7  }
0xd5: {  	[tilespmem:v2+s7+$0x0] =	vst.idx.add.f32.msk $0xffff, v1  }
0xd6: {  	v2 =	vld [tilespmem:$0x450];
	_ =	sdelay $0x7  }
0xd7: {  	[tilespmem:v2+s7+$0x0] =	vst.idx.add.f32.msk $0xffff, v1  }
0xd8: {  	v2 =	vld [tilespmem:$0x460];
	_ =	sdelay $0x7  }
0xd9: {  	[tilespmem:v2+s7+$0x0] =	vst.idx.add.f32.msk $0xffff, v1  }
0xda: {  	v2 =	vld [tilespmem:$0x470];
	_ =	sdelay $0x7  }
0xdb: {  	[tilespmem:v2+s7+$0x0] =	vst.idx.add.f32.msk $0xffff, v1  }
0xdc: {  	v2 =	vld [tilespmem:$0x480];
	_ =	sdelay $0x7  }
0xdd: {  	[tilespmem:v2+s7+$0x0] =	vst.idx.add.f32.msk $0xffff, v1  }
0xde: {  	v2 =	vld [tilespmem:$0x490];
	_ =	sdelay $0x7  }
0xdf: {  	[tilespmem:v2+s7+$0x0] =	vst.idx.add.f32.msk $0xffff, v1  }
0xe0: {  	v2 =	vld [tilespmem:$0x4A0];
	_ =	sdelay $0x7  }
0xe1: {  	[tilespmem:v2+s7+$0x0] =	vst.idx.add.f32.msk $0xffff, v1  }
0xe2: {  	v2 =	vld [tilespmem:$0x4B0];
	_ =	sdelay $0x7  }
0xe3: {  	[tilespmem:v2+s7+$0x0] =	vst.idx.add.f32.msk $0xffff, v1  }
0xe4: {  	v2 =	vld [tilespmem:$0x4C0];
	_ =	sdelay $0x7  }
0xe5: {  	[tilespmem:v2+s7+$0x0] =	vst.idx.add.f32.msk $0xffff, v1  }
0xe6: {  	v2 =	vld [tilespmem:$0x4D0];
	_ =	sdelay $0x7  }
0xe7: {  	[tilespmem:v2+s7+$0x0] =	vst.idx.add.f32.msk $0xffff, v1  }
0xe8: {  	v2 =	vld [tilespmem:$0x4E0];
	_ =	sdelay $0x7  }
0xe9: {  	[tilespmem:v2+s7+$0x0] =	vst.idx.add.f32.msk $0xffff, v1  }
0xea: {  	v2 =	vld [tilespmem:$0x4F0];
	_ =	sdelay $0x7  }
0xeb: {  	[tilespmem:v2+s7+$0x0] =	vst.idx.add.f32.msk $0xffff, v1  }
0xec: {  	v2 =	vld [tilespmem:$0x500];
	_ =	sdelay $0x7  }
0xed: {  	[tilespmem:v2+s7+$0x0] =	vst.idx.add.f32.msk $0xffff, v1  }
0xee: {  	v2 =	vld [tilespmem:$0x510];
	_ =	sdelay $0x7  }
0xef: {  	[tilespmem:v2+s7+$0x0] =	vst.idx.add.f32.msk $0xffff, v1  }
0xf0: {  	v2 =	vld [tilespmem:$0x520];
	_ =	sdelay $0x7  }
0xf1: {  	[tilespmem:v2+s7+$0x0] =	vst.idx.add.f32.msk $0xffff, v1  }
0xf2: {  	v2 =	vld [tilespmem:$0x530];
	_ =	sdelay $0x7  }
0xf3: {  	[tilespmem:v2+s7+$0x0] =	vst.idx.add.f32.msk $0xffff, v1  }
0xf4: {  	v2 =	vld [tilespmem:$0x540];
	_ =	sdelay $0x7  }
0xf5: {  	[tilespmem:v2+s7+$0x0] =	vst.idx.add.f32.msk $0xffff, v1  }
0xf6: {  	v2 =	vld [tilespmem:$0x550];
	_ =	sdelay $0x7  }
0xf7: {  	[tilespmem:v2+s7+$0x0] =	vst.idx.add.f32.msk $0xffff, v1  }
0xf8: {  	v2 =	vld [tilespmem:$0x560];
	_ =	sdelay $0x7  }
0xf9: {  	[tilespmem:v2+s7+$0x0] =	vst.idx.add.f32.msk $0xffff, v1  }
0xfa: {  	v2 =	vld [tilespmem:$0x570];
	_ =	sdelay $0x7  }
0xfb: {  	[tilespmem:v2+s7+$0x0] =	vst.idx.add.f32.msk $0xffff, v1  }
0xfc: {  	v2 =	vld [tilespmem:$0x580];
	_ =	sdelay $0x7  }
0xfd: {  	[tilespmem:v2+s7+$0x0] =	vst.idx.add.f32.msk $0xffff, v1  }
0xfe: {  	v2 =	vld [tilespmem:$0x590];
	_ =	sdelay $0x7  }
0xff: {  	[tilespmem:v2+s7+$0x0] =	vst.idx.add.f32.msk $0xffff, v1  }
0x100: {  	v2 =	vld [tilespmem:$0x5A0];
	_ =	sdelay $0x7  }
0x101: {  	[tilespmem:v2+s7+$0x0] =	vst.idx.add.f32.msk $0xffff, v1  }
0x102: {  	v2 =	vld [tilespmem:$0x5B0];
	_ =	sdelay $0x7  }
0x103: {  	[tilespmem:v2+s7+$0x0] =	vst.idx.add.f32.msk $0xffff, v1  }
0x104: {  	v2 =	vld [tilespmem:$0x5C0];
	_ =	sdelay $0x7  }
0x105: {  	[tilespmem:v2+s7+$0x0] =	vst.idx.add.f32.msk $0xffff, v1  }
0x106: {  	v2 =	vld [tilespmem:$0x5D0];
	_ =	sdelay $0x7  }
0x107: {  	[tilespmem:v2+s7+$0x0] =	vst.idx.add.f32.msk $0xffff, v1  }
0x108: {  	v2 =	vld [tilespmem:$0x5E0];
	_ =	sdelay $0x7  }
0x109: {  	[tilespmem:v2+s7+$0x0] =	vst.idx.add.f32.msk $0xffff, v1  }
0x10a: {  	v2 =	vld [tilespmem:$0x5F0];
	_ =	sdelay $0x7  }
0x10b: {  	[tilespmem:v2+s7+$0x0] =	vst.idx.add.f32.msk $0xffff, v1  }
0x10c: {  	v2 =	vld [tilespmem:$0x600];
	_ =	sdelay $0x7  }
0x10d: {  	[tilespmem:v2+s7+$0x0] =	vst.idx.add.f32.msk $0xffff, v1  }
0x10e: {  	v2 =	vld [tilespmem:$0x610];
	_ =	sdelay $0x7  }
0x10f: {  	[tilespmem:v2+s7+$0x0] =	vst.idx.add.f32.msk $0xffff, v1  }
0x110: {  	v2 =	vld [tilespmem:$0x620];
	_ =	sdelay $0x7  }
0x111: {  	[tilespmem:v2+s7+$0x0] =	vst.idx.add.f32.msk $0xffff, v1  }
0x112: {  	v2 =	vld [tilespmem:$0x630];
	_ =	sdelay $0x7  }
0x113: {  	[tilespmem:v2+s7+$0x0] =	vst.idx.add.f32.msk $0xffff, v1  }
0x114: {  	v2 =	vld [tilespmem:$0x640];
	_ =	sdelay $0x7  }
0x115: {  	[tilespmem:v2+s7+$0x0] =	vst.idx.add.f32.msk $0xffff, v1  }
0x116: {  	v2 =	vld [tilespmem:$0x650];
	_ =	sdelay $0x7  }
0x117: {  	[tilespmem:v2+s7+$0x0] =	vst.idx.add.f32.msk $0xffff, v1  }
0x118: {  	v2 =	vld [tilespmem:$0x660];
	_ =	sdelay $0x7  }
0x119: {  	[tilespmem:v2+s7+$0x0] =	vst.idx.add.f32.msk $0xffff, v1  }
0x11a: {  	v2 =	vld [tilespmem:$0x670];
	_ =	sdelay $0x7  }
0x11b: {  	[tilespmem:v2+s7+$0x0] =	vst.idx.add.f32.msk $0xffff, v1  }
0x11c: {  	v2 =	vld [tilespmem:$0x680];
	_ =	sdelay $0x7  }
0x11d: {  	[tilespmem:v2+s7+$0x0] =	vst.idx.add.f32.msk $0xffff, v1  }
0x11e: {  	v2 =	vld [tilespmem:$0x690];
	_ =	sdelay $0x7  }
0x11f: {  	[tilespmem:v2+s7+$0x0] =	vst.idx.add.f32.msk $0xffff, v1  }
0x120: {  	v2 =	vld [tilespmem:$0x6A0];
	_ =	sdelay $0x7  }
0x121: {  	[tilespmem:v2+s7+$0x0] =	vst.idx.add.f32.msk $0xffff, v1  }
0x122: {  	v2 =	vld [tilespmem:$0x6B0];
	_ =	sdelay $0x7  }
0x123: {  	[tilespmem:v2+s7+$0x0] =	vst.idx.add.f32.msk $0xffff, v1  }
0x124: {  	v2 =	vld [tilespmem:$0x6C0];
	_ =	sdelay $0x7  }
0x125: {  	[tilespmem:v2+s7+$0x0] =	vst.idx.add.f32.msk $0xffff, v1  }
0x126: {  	v2 =	vld [tilespmem:$0x6D0];
	_ =	sdelay $0x7  }
0x127: {  	[tilespmem:v2+s7+$0x0] =	vst.idx.add.f32.msk $0xffff, v1  }
0x128: {  	v2 =	vld [tilespmem:$0x6E0];
	_ =	sdelay $0x7  }
0x129: {  	[tilespmem:v2+s7+$0x0] =	vst.idx.add.f32.msk $0xffff, v1  }
0x12a: {  	v2 =	vld [tilespmem:$0x6F0];
	_ =	sdelay $0x7  }
0x12b: {  	[tilespmem:v2+s7+$0x0] =	vst.idx.add.f32.msk $0xffff, v1  }
0x12c: {  	v2 =	vld [tilespmem:$0x700];
	_ =	sdelay $0x7  }
0x12d: {  	[tilespmem:v2+s7+$0x0] =	vst.idx.add.f32.msk $0xffff, v1  }
0x12e: {  	v2 =	vld [tilespmem:$0x710];
	_ =	sdelay $0x7  }
0x12f: {  	[tilespmem:v2+s7+$0x0] =	vst.idx.add.f32.msk $0xffff, v1  }
0x130: {  	v2 =	vld [tilespmem:$0x720];
	_ =	sdelay $0x7  }
0x131: {  	[tilespmem:v2+s7+$0x0] =	vst.idx.add.f32.msk $0xffff, v1  }
0x132: {  	v2 =	vld [tilespmem:$0x730];
	_ =	sdelay $0x7  }
0x133: {  	[tilespmem:v2+s7+$0x0] =	vst.idx.add.f32.msk $0xffff, v1  }
0x134: {  	v2 =	vld [tilespmem:$0x740];
	_ =	sdelay $0x7  }
0x135: {  	[tilespmem:v2+s7+$0x0] =	vst.idx.add.f32.msk $0xffff, v1  }
0x136: {  	v2 =	vld [tilespmem:$0x750];
	_ =	sdelay $0x7  }
0x137: {  	[tilespmem:v2+s7+$0x0] =	vst.idx.add.f32.msk $0xffff, v1  }
0x138: {  	v2 =	vld [tilespmem:$0x760];
	_ =	sdelay $0x7  }
0x139: {  	[tilespmem:v2+s7+$0x0] =	vst.idx.add.f32.msk $0xffff, v1  }
0x13a: {  	v2 =	vld [tilespmem:$0x770];
	_ =	sdelay $0x7  }
0x13b: {  	[tilespmem:v2+s7+$0x0] =	vst.idx.add.f32.msk $0xffff, v1  }
0x13c: {  	v2 =	vld [tilespmem:$0x780];
	_ =	sdelay $0x7  }
0x13d: {  	[tilespmem:v2+s7+$0x0] =	vst.idx.add.f32.msk $0xffff, v1  }
0x13e: {  	v2 =	vld [tilespmem:$0x790];
	_ =	sdelay $0x7  }
0x13f: {  	[tilespmem:v2+s7+$0x0] =	vst.idx.add.f32.msk $0xffff, v1  }
0x140: {  	v2 =	vld [tilespmem:$0x7A0];
	_ =	sdelay $0x7  }
0x141: {  	[tilespmem:v2+s7+$0x0] =	vst.idx.add.f32.msk $0xffff, v1  }
0x142: {  	v2 =	vld [tilespmem:$0x7B0];
	_ =	sdelay $0x7  }
0x143: {  	[tilespmem:v2+s7+$0x0] =	vst.idx.add.f32.msk $0xffff, v1  }
0x144: {  	v2 =	vld [tilespmem:$0x7C0];
	_ =	sdelay $0x7  }
0x145: {  	[tilespmem:v2+s7+$0x0] =	vst.idx.add.f32.msk $0xffff, v1  }
0x146: {  	v2 =	vld [tilespmem:$0x7D0];
	_ =	sdelay $0x7  }
0x147: {  	[tilespmem:v2+s7+$0x0] =	vst.idx.add.f32.msk $0xffff, v1  }
0x148: {  	v2 =	vld [tilespmem:$0x7E0];
	_ =	sdelay $0x7  }
0x149: {  	[tilespmem:v2+s7+$0x0] =	vst.idx.add.f32.msk $0xffff, v1  }
0x14a: {  	v2 =	vld [tilespmem:$0x7F0];
	_ =	sdelay $0x6  }
0x14b: {  	p0 =	sne.s32 s5, $0x1  }
.Ltmp0:
0x14c: {  	[tilespmem:v2+s7+$0x0] =	vst.idx.add.f32.msk $0xffff, v1;
	(pc) =	sbr.rel @p0 .LBB2_1-.Ltmp0, $4  }
0x14d: {  	[hbm4b:s4+s2] =	stream.linear.scatter [tilespmem:s7], [sflag:$0x1], $0x400, $0x38;
	[tilespmem:$0xC00] =	vst v63  }
0x14e: {  	_ =	swait.ge [sflag:s6], $0x400  }
0x14f: {  	[sflag:s6] =	ssyncset.done $0x0  }
0x150: {  	s5 =	sadd.s32 $0xFFFFFFFF, s5;
	[sflag:s6] =	ssyncadd.s32 $0xFFFFFC00  }
0x151: {  	_ =	sfence.sel $0x180000  }
0x152: {  	[bflag:$0x0] =	sbarrier.arrive $0xFFFF  }
0x153: {  	p0 =	sne.s32 s1, $0x0;
	_ =	strace $0x90000047  }
0x154: {  	s0 =	sadd.s32 @!p0 $0x100000, s0;
	[bflag:$0x2] =	sbarrier.arrive $0xFFFF  }
0x155: {  	[sflag:s0] =	ssyncadd.tile.s32 @!p0 $0x1;
	_ =	shalt  }
.Lfunc_end2:
_tile_overlayer_lowered:
.L_overlay_start_2:
0x156: {  	(tag) =	ssettag $0x2  }
0x157: {  	s0 =	rddreg [dreg:$0x0];
	s2 =	stileid.u32  }
0x158: {  	s1 =	rddreg [dreg:$0x1];
	p0 =	sne.s32 s2, $0x0  }
0x159: {  	s3 =	rddreg [dreg:$0x2];
	[bflag:$0x3] =	sbarrier.arrive $0xFFFF;
	s2 =	simm.s32 @!p0 $0x1C01  }
0x15a: {  	[timem:s3], [sflag:s2] =	dma.local @!p0 [hbm:s0], s1  }
0x15b: {  	s0 =	simm.s32 @!p0 $0x1  }
0x15c: {  	_ =	swait.ge @!p0 [sflag:s0], s1  }
0x15d: {  	s1 =	ssub.s32 @!p0 $0x0, s1;
	[sflag:s0] =	ssyncset.done @!p0 $0x0  }
0x15e: {  	[sflag:s0] =	ssyncadd.s32 @!p0 s1  }
0x15f: {  	[bflag:$0x3] =	sbarrier.arrive $0xFFFF  }
0x160: {  	_ =	shalt  }

</sc_bundles>
